<compile_context>
chip_gen: v7x
topology: tpu7x:2x2x1
jax: 0.10.2.dev20260603
libtpu: 0.0.44.dev20260713+nightly
codegen_flags: <defaults>
</compile_context>

<pallas_src>
import functools

import jax
import jax.numpy as jnp
from jax import lax
from jax.experimental import pallas as pl
from jax.experimental.pallas import tpu as pltpu
from jax.experimental.pallas import tpu_sc as plsc

E = 64
K = 2
BT = 128
GPAD = 128
NEG = -1e30


def _gate_body(x_ref, gw1_ref, gb1_ref, gw2_ref, gb2_ref,
               logits_ref, topw_ref, slot_ref, be_ref, nbl_ref):
    x = x_ref[...]
    n = x.shape[0]
    z = lax.dot_general(x, gw1_ref[...], (((1,), (1,)), ((), ())),
                        preferred_element_type=jnp.float32) + gb1_ref[...]
    h = jnp.where(z > 0, z, jnp.exp(jnp.minimum(z, 0.0)) - 1.0)
    logits = lax.dot_general(h, gw2_ref[...], (((1,), (1,)), ((), ())),
                             preferred_element_type=jnp.float32) + gb2_ref[...]
    logits_ref[...] = logits
    cols = lax.broadcasted_iota(jnp.int32, logits.shape, 1)
    m1 = jnp.max(logits, axis=1, keepdims=True)
    a1 = jnp.min(jnp.where(logits == m1, cols, E), axis=1, keepdims=True)
    masked = jnp.where(cols == a1, NEG, logits)
    m2 = jnp.max(masked, axis=1, keepdims=True)
    a2 = jnp.min(jnp.where(masked == m2, cols, E), axis=1, keepdims=True)
    w1v = 1.0 / (1.0 + jnp.exp(m2 - m1))
    topw_ref[...] = jnp.concatenate([w1v, 1.0 - w1v], axis=1)

    oh1 = (cols == a1).astype(jnp.float32)
    oh2 = (cols == a2).astype(jnp.float32)
    onehot = oh1 + oh2
    ri = lax.broadcasted_iota(jnp.int32, (n, n), 0)
    ci = lax.broadcasted_iota(jnp.int32, (n, n), 1)
    ltri = (ci < ri).astype(jnp.float32)
    csum = lax.dot_general(ltri, onehot, (((1,), (0,)), ((), ())),
                           preferred_element_type=jnp.float32)
    counts = jnp.sum(onehot, axis=0, keepdims=True)
    nb = jnp.floor((counts + (BT - 1)) * (1.0 / BT))
    ei = lax.broadcasted_iota(jnp.int32, (E, E), 0)
    ej = lax.broadcasted_iota(jnp.int32, (E, E), 1)
    ltri_e = (ei < ej).astype(jnp.float32)
    block_start = lax.dot_general(nb, ltri_e, (((1,), (0,)), ((), ())),
                                  preferred_element_type=jnp.float32)
    base = csum + block_start * BT
    s1 = jnp.sum(oh1 * base, axis=1, keepdims=True)
    s2 = jnp.sum(oh2 * base, axis=1, keepdims=True)
    slot_ref[...] = jnp.concatenate([s1, s2], axis=1).astype(jnp.int32)
    gi = lax.broadcasted_iota(jnp.int32, (GPAD, E), 0).astype(jnp.float32)
    be = jnp.sum((block_start <= gi).astype(jnp.float32), axis=1,
                 keepdims=True) - 1.0
    be_ref[...] = be.astype(jnp.int32)
    nbl_ref[...] = (block_start[:, E - 1:E] + nb[:, E - 1:E]).astype(jnp.int32)


def _gate(x, gw1, gb1, gw2, gb2):
    n = x.shape[0]
    return pl.pallas_call(
        _gate_body,
        out_shape=(
            jax.ShapeDtypeStruct((n, E), jnp.float32),
            jax.ShapeDtypeStruct((n, K), jnp.float32),
            jax.ShapeDtypeStruct((n, K), jnp.int32),
            jax.ShapeDtypeStruct((GPAD, 1), jnp.int32),
            jax.ShapeDtypeStruct((1, 1), jnp.int32),
        ),
    )(x, gw1, gb1.reshape(1, -1), gw2, gb2.reshape(1, -1))


def _gmm_body(be_ref, nb_ref, xs_ref, w1_ref, w3_ref, w2_ref, y_ref):
    g = pl.program_id(0)

    @pl.when(g < nb_ref[0])
    def _():
        x = xs_ref[...]
        h1 = lax.dot_general(x, w1_ref[0], (((1,), (1,)), ((), ())),
                             preferred_element_type=jnp.float32)
        h3 = lax.dot_general(x, w3_ref[0], (((1,), (1,)), ((), ())),
                             preferred_element_type=jnp.float32)
        hh = jnp.maximum(h1, 0.0) * h3
        y_ref[...] = lax.dot_general(hh, w2_ref[0], (((1,), (1,)), ((), ())),
                                     preferred_element_type=jnp.float32)


def _gmm(xs, w1, w3, w2, block_expert, nblocks, n_blocks_max):
    p, d = xs.shape
    f = w1.shape[1]
    last = n_blocks_max - 1

    def clamp(g, nb):
        return jnp.where(g < nb[0], g, last)

    grid_spec = pltpu.PrefetchScalarGridSpec(
        num_scalar_prefetch=2,
        grid=(n_blocks_max,),
        in_specs=[
            pl.BlockSpec((BT, d), lambda g, be, nb: (clamp(g, nb), 0)),
            pl.BlockSpec((1, f, d), lambda g, be, nb: (be[g], 0, 0)),
            pl.BlockSpec((1, f, d), lambda g, be, nb: (be[g], 0, 0)),
            pl.BlockSpec((1, d, f), lambda g, be, nb: (be[g], 0, 0)),
        ],
        out_specs=pl.BlockSpec((BT, d), lambda g, be, nb: (clamp(g, nb), 0)),
    )
    return pl.pallas_call(
        _gmm_body,
        grid_spec=grid_spec,
        out_shape=jax.ShapeDtypeStruct((p, d), jnp.float32),
    )(block_expert, nblocks, xs, w1, w3, w2)


def _sc_mesh():
    return plsc.VectorSubcoreMesh(core_axis_name="c", subcore_axis_name="s")


def _sc_dispatch(x, inv0, inv1, p, d):
    n = x.shape[0]
    info = plsc.get_sparse_core_info()
    nw = info.num_cores * info.num_subcores
    tok_per_w = n // nw

    @functools.partial(
        pl.kernel,
        out_type=jax.ShapeDtypeStruct((p, d), jnp.float32),
        mesh=_sc_mesh(),
        scratch_types=[
            pltpu.VMEM((tok_per_w, d), jnp.float32),
            pltpu.VMEM((tok_per_w,), jnp.int32),
            pltpu.VMEM((tok_per_w,), jnp.int32),
            pltpu.SemaphoreType.DMA,
        ],
    )
    def run(x_hbm, i0_hbm, i1_hbm, out_hbm, rows_v, i0_v, i1_v, sem):
        wid = lax.axis_index("s") * info.num_cores + lax.axis_index("c")
        base = wid * tok_per_w
        pltpu.sync_copy(x_hbm.at[pl.ds(base, tok_per_w)], rows_v)
        pltpu.sync_copy(i0_hbm.at[pl.ds(base, tok_per_w)], i0_v)
        pltpu.sync_copy(i1_hbm.at[pl.ds(base, tok_per_w)], i1_v)
        c0 = pltpu.async_copy(rows_v, out_hbm.at[i0_v], sem)
        c1 = pltpu.async_copy(rows_v, out_hbm.at[i1_v], sem)
        c0.wait()
        c1.wait()

    return run(x, inv0, inv1)


def _sc_gather(x, rows, p, d, ch=64):
    info = plsc.get_sparse_core_info()
    nw = info.num_cores * info.num_subcores
    rows_per_w = p // nw
    n_ch = rows_per_w // ch

    @functools.partial(
        pl.kernel,
        out_type=jax.ShapeDtypeStruct((p, d), jnp.float32),
        mesh=_sc_mesh(),
        scratch_types=[
            pltpu.VMEM((ch,), jnp.int32),
            pltpu.VMEM((ch, d), jnp.float32),
            pltpu.SemaphoreType.DMA,
        ],
    )
    def run(x_hbm, idx_hbm, out_hbm, idx_v, rows_v, sem):
        wid = lax.axis_index("s") * info.num_cores + lax.axis_index("c")
        base = wid * rows_per_w

        def body(i, carry):
            off = base + i * ch
            pltpu.sync_copy(idx_hbm.at[pl.ds(off, ch)], idx_v)
            pltpu.async_copy(x_hbm.at[idx_v], rows_v, sem).wait()
            pltpu.sync_copy(rows_v, out_hbm.at[pl.ds(off, ch)])
            return carry

        lax.fori_loop(0, n_ch, body, 0, unroll=False)

    return run(x, rows)


def _wadd_body(y_ref, w_ref, o_ref):
    o_ref[...] = (y_ref[:, 0, :] * w_ref[:, 0:1]
                  + y_ref[:, 1, :] * w_ref[:, 1:2])


def _pair_add(yab, topw, n, d):
    nb = 4
    bn = n // nb
    return pl.pallas_call(
        _wadd_body,
        grid=(nb,),
        in_specs=[
            pl.BlockSpec((bn, K, d), lambda i: (i, 0, 0)),
            pl.BlockSpec((bn, K), lambda i: (i, 0)),
        ],
        out_specs=pl.BlockSpec((bn, d), lambda i: (i, 0)),
        out_shape=jax.ShapeDtypeStruct((n, d), jnp.float32),
    )(yab.reshape(n, K, d), topw)


def kernel(hidden_states, gate_w1, gate_b1, gate_w2, gate_b2, w1, w2, w3):
    b, s, d = hidden_states.shape
    n = b * s
    a = n * K
    g_max = (a + E * (BT - 1)) // BT
    g_max = ((g_max + 15) // 16) * 16
    p = g_max * BT

    x = hidden_states.reshape(n, d)

    logits, topw, inv, be, nbl = _gate(x, gate_w1, gate_b1, gate_w2, gate_b2)

    block_expert = be.reshape(GPAD)[:g_max]
    nblocks = nbl.reshape(1)

    xs = _sc_dispatch(x, inv[:, 0], inv[:, 1], p, d)
    y = _gmm(xs, w1, w3, w2, block_expert, nblocks, g_max)
    yab = _sc_gather(y, inv.reshape(a), a, d, ch=128)
    final = _pair_add(yab, topw, n, d)

    return final.reshape(b, s, d), logits

# --- scband reference (transcript-rebuilt; emitter-appended) ---
"""Pipeline reference for scband-mixtral-sparse-moe-block-9929964388840 (READ-ONLY COPY).

The authoritative reference and input builder live on the scoring server;
editing this copy changes nothing except your own understanding.
"""

import jax, jax.numpy as jnp
import numpy as np

E = 64
TOP_K = 2
D = 768
FFN = 1024
GATE_H = 768
B, S = 1, 2048


def setup_inputs(seed: int = 0):
    key = jax.random.key(seed)
    ks = jax.random.split(key, 8)
    inp = {}
    inp["hidden_states"] = jax.random.normal(ks[0], (B, S, D), dtype=jnp.float32)
    inp["gate_w1"] = jax.random.normal(ks[1], (GATE_H, D), dtype=jnp.float32) * 0.02
    inp["gate_b1"] = jnp.zeros((GATE_H,), dtype=jnp.float32)
    inp["gate_w2"] = jax.random.normal(ks[2], (E, GATE_H), dtype=jnp.float32) * 0.02
    inp["gate_b2"] = jnp.zeros((E,), dtype=jnp.float32)
    inp["w1"] = jax.random.normal(ks[3], (E, FFN, D), dtype=jnp.float32) * 0.02
    inp["w2"] = jax.random.normal(ks[4], (E, D, FFN), dtype=jnp.float32) * 0.02
    inp["w3"] = jax.random.normal(ks[5], (E, FFN, D), dtype=jnp.float32) * 0.02
    return inp


def reference(hidden_states, gate_w1, gate_b1, gate_w2, gate_b2, w1, w2, w3):
    b, s, d = hidden_states.shape
    x = hidden_states.reshape(-1, d)
    # gate: Linear -> ELU -> Linear
    h = jax.nn.elu(x @ gate_w1.T + gate_b1)
    router_logits = h @ gate_w2.T + gate_b2
    routing_weights = jax.nn.softmax(router_logits.astype(jnp.float32), axis=1)
    topw, sel = jax.lax.top_k(routing_weights, TOP_K)
    topw = topw / jnp.sum(topw, axis=-1, keepdims=True)
    topw = topw.astype(hidden_states.dtype)
    final = jnp.zeros((b * s, d), dtype=hidden_states.dtype)
    n_experts = w1.shape[0]
    for e in range(n_experts):
        # equivalent of torch.where(one_hot(sel, E).permute(2,1,0)[e])
        weight = jnp.sum(jnp.where(sel == e, topw, jnp.zeros_like(topw)), axis=-1)
        cur_out = (jax.nn.relu(x @ w1[e].T) * (x @ w3[e].T)) @ w2[e].T
        cur_out = cur_out * weight[:, None]
        final = final + cur_out
    return final.reshape(b, s, d), router_logits

if __name__ == "__main__":
    import jax
    _d = setup_inputs()
    print(jax.jit(kernel)(*tuple(_d.values())))

</pallas_src>

<mosaic_0001>
#map = affine_map<(d0, d1) -> (0, 0)>
#map1 = affine_map<(d0, d1) -> (0)>
module attributes {stable_mosaic.version = 14 : i64} {
  func.func @run(%arg0: i32, %arg1: i32, %arg2: memref<2048x768xf32, #tpu.memory_space<hbm>>, %arg3: memref<2048xi32, #tpu.memory_space<hbm>>, %arg4: memref<2048xi32, #tpu.memory_space<hbm>>, %arg5: memref<12288x768xf32, #tpu.memory_space<hbm>>, %arg6: memref<64x768xf32, #tpu.memory_space<vmem>>, %arg7: memref<64xi32, #tpu.memory_space<vmem>>, %arg8: memref<64xi32, #tpu.memory_space<vmem>>, %arg9: memref<!tpu.dma_semaphore, #tpu.memory_space<semaphore_mem>>) attributes {dimension_semantics = [#tpu.dimension_semantics<core_parallel>, #tpu.dimension_semantics<subcore_parallel>], iteration_bounds = array<i64: 2, 16>, scalar_prefetch = 0 : i64, scratch_operands = 4 : i64, tpu.core_type = #tpu.core_type<sc_vector_subcore>, window_params = [{transform_indices = #map}, {transform_indices = #map1}, {transform_indices = #map1}, {transform_indices = #map}]} {
    %mul3A = arith.constant 2 : i32
    %mul3A_0 = arith.muli %arg1, %mul3A : i32
    %add3A = arith.addi %mul3A_0, %arg0 : i32
    %mul3A_1 = arith.constant 64 : i32
    %mul3A_2 = arith.muli %add3A, %mul3A_1 : i32
    "tpu.region"() ({
      %run_scoped3A = tpu.sem_alloc : memref<!tpu.dma_semaphore, #tpu.memory_space<semaphore_mem>>
      %dma_start3A_13 = arith.constant 0 : i32
      %dma_start3A_14 = tpu.memref_slice %arg2[%mul3A_2, %dma_start3A_13] : memref<2048x768xf32, #tpu.memory_space<hbm>> -> memref<64x768xf32, #tpu.memory_space<hbm>>
      %dma_start3A_15 = arith.constant 0 : i32
      %dma_start3A_16 = tpu.memref_slice %arg2[%mul3A_2, %dma_start3A_15] : memref<2048x768xf32, #tpu.memory_space<hbm>> -> memref<64x768xf32, #tpu.memory_space<hbm>>
      tpu.enqueue_dma source(%dma_start3A_16 : memref<64x768xf32, #tpu.memory_space<hbm>>) target(%arg6 : memref<64x768xf32, #tpu.memory_space<vmem>>) target_semaphore(%run_scoped3A : memref<!tpu.dma_semaphore, #tpu.memory_space<semaphore_mem>>)
      %dma_wait3A_17 = arith.constant 0 : i32
      %dma_wait3A_18 = tpu.memref_slice %arg2[%mul3A_2, %dma_wait3A_17] : memref<2048x768xf32, #tpu.memory_space<hbm>> -> memref<64x768xf32, #tpu.memory_space<hbm>>
      %dma_wait3A_19 = arith.constant 0 : i32
      %dma_wait3A_20 = tpu.memref_slice %arg2[%mul3A_2, %dma_wait3A_19] : memref<2048x768xf32, #tpu.memory_space<hbm>> -> memref<64x768xf32, #tpu.memory_space<hbm>>
      tpu.wait_dma2 semaphore(%run_scoped3A : memref<!tpu.dma_semaphore, #tpu.memory_space<semaphore_mem>>) src(%dma_wait3A_20 : memref<64x768xf32, #tpu.memory_space<hbm>>) dst(%arg6 : memref<64x768xf32, #tpu.memory_space<vmem>>)
      tpu.yield
    }) : () -> ()
    "tpu.region"() ({
      %run_scoped3A = tpu.sem_alloc : memref<!tpu.dma_semaphore, #tpu.memory_space<semaphore_mem>>
      %dma_start3A_13 = tpu.memref_slice %arg3[%mul3A_2] : memref<2048xi32, #tpu.memory_space<hbm>> -> memref<64xi32, #tpu.memory_space<hbm>>
      %dma_start3A_14 = tpu.memref_slice %arg3[%mul3A_2] : memref<2048xi32, #tpu.memory_space<hbm>> -> memref<64xi32, #tpu.memory_space<hbm>>
      tpu.enqueue_dma source(%dma_start3A_14 : memref<64xi32, #tpu.memory_space<hbm>>) target(%arg7 : memref<64xi32, #tpu.memory_space<vmem>>) target_semaphore(%run_scoped3A : memref<!tpu.dma_semaphore, #tpu.memory_space<semaphore_mem>>)
      %dma_wait3A_15 = tpu.memref_slice %arg3[%mul3A_2] : memref<2048xi32, #tpu.memory_space<hbm>> -> memref<64xi32, #tpu.memory_space<hbm>>
      %dma_wait3A_16 = tpu.memref_slice %arg3[%mul3A_2] : memref<2048xi32, #tpu.memory_space<hbm>> -> memref<64xi32, #tpu.memory_space<hbm>>
      tpu.wait_dma2 semaphore(%run_scoped3A : memref<!tpu.dma_semaphore, #tpu.memory_space<semaphore_mem>>) src(%dma_wait3A_16 : memref<64xi32, #tpu.memory_space<hbm>>) dst(%arg7 : memref<64xi32, #tpu.memory_space<vmem>>)
      tpu.yield
    }) : () -> ()
    "tpu.region"() ({
      %run_scoped3A = tpu.sem_alloc : memref<!tpu.dma_semaphore, #tpu.memory_space<semaphore_mem>>
      %dma_start3A_13 = tpu.memref_slice %arg4[%mul3A_2] : memref<2048xi32, #tpu.memory_space<hbm>> -> memref<64xi32, #tpu.memory_space<hbm>>
      %dma_start3A_14 = tpu.memref_slice %arg4[%mul3A_2] : memref<2048xi32, #tpu.memory_space<hbm>> -> memref<64xi32, #tpu.memory_space<hbm>>
      tpu.enqueue_dma source(%dma_start3A_14 : memref<64xi32, #tpu.memory_space<hbm>>) target(%arg8 : memref<64xi32, #tpu.memory_space<vmem>>) target_semaphore(%run_scoped3A : memref<!tpu.dma_semaphore, #tpu.memory_space<semaphore_mem>>)
      %dma_wait3A_15 = tpu.memref_slice %arg4[%mul3A_2] : memref<2048xi32, #tpu.memory_space<hbm>> -> memref<64xi32, #tpu.memory_space<hbm>>
      %dma_wait3A_16 = tpu.memref_slice %arg4[%mul3A_2] : memref<2048xi32, #tpu.memory_space<hbm>> -> memref<64xi32, #tpu.memory_space<hbm>>
      tpu.wait_dma2 semaphore(%run_scoped3A : memref<!tpu.dma_semaphore, #tpu.memory_space<semaphore_mem>>) src(%dma_wait3A_16 : memref<64xi32, #tpu.memory_space<hbm>>) dst(%arg8 : memref<64xi32, #tpu.memory_space<vmem>>)
      tpu.yield
    }) : () -> ()
    %dma_start3A = arith.constant 0 : i32
    %dma_start3A_3 = arith.constant 0 : i32
    %dma_start3A_4 = tpu.memref_slice %arg5[%dma_start3A, %dma_start3A_3] : memref<12288x768xf32, #tpu.memory_space<hbm>> -> memref<12288x768xf32, #tpu.memory_space<hbm>>
    tpu.enqueue_indirect_dma source(%arg6 : memref<64x768xf32, #tpu.memory_space<vmem>>) target(%dma_start3A_4 : memref<12288x768xf32, #tpu.memory_space<hbm>>) offsets(%arg7 : memref<64xi32, #tpu.memory_space<vmem>>) semaphore(%arg9 : memref<!tpu.dma_semaphore, #tpu.memory_space<semaphore_mem>>)
    %dma_start3A_5 = arith.constant 0 : i32
    %dma_start3A_6 = arith.constant 0 : i32
    %dma_start3A_7 = tpu.memref_slice %arg5[%dma_start3A_5, %dma_start3A_6] : memref<12288x768xf32, #tpu.memory_space<hbm>> -> memref<12288x768xf32, #tpu.memory_space<hbm>>
    tpu.enqueue_indirect_dma source(%arg6 : memref<64x768xf32, #tpu.memory_space<vmem>>) target(%dma_start3A_7 : memref<12288x768xf32, #tpu.memory_space<hbm>>) offsets(%arg8 : memref<64xi32, #tpu.memory_space<vmem>>) semaphore(%arg9 : memref<!tpu.dma_semaphore, #tpu.memory_space<semaphore_mem>>)
    %dma_wait3A = arith.constant 0 : i32
    %dma_wait3A_8 = arith.constant 0 : i32
    %dma_wait3A_9 = tpu.memref_slice %arg5[%dma_wait3A, %dma_wait3A_8] : memref<12288x768xf32, #tpu.memory_space<hbm>> -> memref<12288x768xf32, #tpu.memory_space<hbm>>
    tpu.wait_indirect_dma semaphore(%arg9 : memref<!tpu.dma_semaphore, #tpu.memory_space<semaphore_mem>>) src(%arg6 : memref<64x768xf32, #tpu.memory_space<vmem>>) dst(%dma_wait3A_9 : memref<12288x768xf32, #tpu.memory_space<hbm>>)
    %dma_wait3A_10 = arith.constant 0 : i32
    %dma_wait3A_11 = arith.constant 0 : i32
    %dma_wait3A_12 = tpu.memref_slice %arg5[%dma_wait3A_10, %dma_wait3A_11] : memref<12288x768xf32, #tpu.memory_space<hbm>> -> memref<12288x768xf32, #tpu.memory_space<hbm>>
    tpu.wait_indirect_dma semaphore(%arg9 : memref<!tpu.dma_semaphore, #tpu.memory_space<semaphore_mem>>) src(%arg6 : memref<64x768xf32, #tpu.memory_space<vmem>>) dst(%dma_wait3A_12 : memref<12288x768xf32, #tpu.memory_space<hbm>>)
    return
  }
}

#map = affine_map<(d0, d1) -> (0, 0)>
#map1 = affine_map<(d0, d1) -> (0)>
module attributes {stable_mosaic.version = 14 : i64} {
  func.func @run(%arg0: i32, %arg1: i32, %arg2: memref<12288x768xf32, #tpu.memory_space<hbm>>, %arg3: memref<4096xi32, #tpu.memory_space<hbm>>, %arg4: memref<4096x768xf32, #tpu.memory_space<hbm>>, %arg5: memref<128xi32, #tpu.memory_space<vmem>>, %arg6: memref<128x768xf32, #tpu.memory_space<vmem>>, %arg7: memref<!tpu.dma_semaphore, #tpu.memory_space<semaphore_mem>>) attributes {dimension_semantics = [#tpu.dimension_semantics<core_parallel>, #tpu.dimension_semantics<subcore_parallel>], iteration_bounds = array<i64: 2, 16>, scalar_prefetch = 0 : i64, scratch_operands = 3 : i64, tpu.core_type = #tpu.core_type<sc_vector_subcore>, window_params = [{transform_indices = #map}, {transform_indices = #map1}, {transform_indices = #map}]} {
    %mul3A = arith.constant 2 : i32
    %mul3A_0 = arith.muli %arg1, %mul3A : i32
    %add3A = arith.addi %mul3A_0, %arg0 : i32
    %mul3A_1 = arith.constant 128 : i32
    %mul3A_2 = arith.muli %add3A, %mul3A_1 : i32
    %scan3A = arith.constant 0 : i32
    %scan3A_3 = arith.constant 0 : i32
    %mul3A_4 = arith.constant 128 : i32
    %mul3A_5 = arith.muli %scan3A_3, %mul3A_4 : i32
    %add3A_6 = arith.addi %mul3A_2, %mul3A_5 : i32
    "tpu.region"() ({
      %run_scoped3A = tpu.sem_alloc : memref<!tpu.dma_semaphore, #tpu.memory_space<semaphore_mem>>
      %dma_start3A_12 = tpu.memref_slice %arg3[%add3A_6] : memref<4096xi32, #tpu.memory_space<hbm>> -> memref<128xi32, #tpu.memory_space<hbm>>
      %dma_start3A_13 = tpu.memref_slice %arg3[%add3A_6] : memref<4096xi32, #tpu.memory_space<hbm>> -> memref<128xi32, #tpu.memory_space<hbm>>
      tpu.enqueue_dma source(%dma_start3A_13 : memref<128xi32, #tpu.memory_space<hbm>>) target(%arg5 : memref<128xi32, #tpu.memory_space<vmem>>) target_semaphore(%run_scoped3A : memref<!tpu.dma_semaphore, #tpu.memory_space<semaphore_mem>>)
      %dma_wait3A_14 = tpu.memref_slice %arg3[%add3A_6] : memref<4096xi32, #tpu.memory_space<hbm>> -> memref<128xi32, #tpu.memory_space<hbm>>
      %dma_wait3A_15 = tpu.memref_slice %arg3[%add3A_6] : memref<4096xi32, #tpu.memory_space<hbm>> -> memref<128xi32, #tpu.memory_space<hbm>>
      tpu.wait_dma2 semaphore(%run_scoped3A : memref<!tpu.dma_semaphore, #tpu.memory_space<semaphore_mem>>) src(%dma_wait3A_15 : memref<128xi32, #tpu.memory_space<hbm>>) dst(%arg5 : memref<128xi32, #tpu.memory_space<vmem>>)
      tpu.yield
    }) : () -> ()
    %dma_start3A = arith.constant 0 : i32
    %dma_start3A_7 = arith.constant 0 : i32
    %dma_start3A_8 = tpu.memref_slice %arg2[%dma_start3A, %dma_start3A_7] : memref<12288x768xf32, #tpu.memory_space<hbm>> -> memref<12288x768xf32, #tpu.memory_space<hbm>>
    tpu.enqueue_indirect_dma source(%dma_start3A_8 : memref<12288x768xf32, #tpu.memory_space<hbm>>) target(%arg6 : memref<128x768xf32, #tpu.memory_space<vmem>>) offsets(%arg5 : memref<128xi32, #tpu.memory_space<vmem>>) semaphore(%arg7 : memref<!tpu.dma_semaphore, #tpu.memory_space<semaphore_mem>>)
    %dma_wait3A = arith.constant 0 : i32
    %dma_wait3A_9 = arith.constant 0 : i32
    %dma_wait3A_10 = tpu.memref_slice %arg2[%dma_wait3A, %dma_wait3A_9] : memref<12288x768xf32, #tpu.memory_space<hbm>> -> memref<12288x768xf32, #tpu.memory_space<hbm>>
    tpu.wait_indirect_dma semaphore(%arg7 : memref<!tpu.dma_semaphore, #tpu.memory_space<semaphore_mem>>) src(%dma_wait3A_10 : memref<12288x768xf32, #tpu.memory_space<hbm>>) dst(%arg6 : memref<128x768xf32, #tpu.memory_space<vmem>>)
    "tpu.region"() ({
      %run_scoped3A = tpu.sem_alloc : memref<!tpu.dma_semaphore, #tpu.memory_space<semaphore_mem>>
      %dma_start3A_12 = arith.constant 0 : i32
      %dma_start3A_13 = tpu.memref_slice %arg4[%add3A_6, %dma_start3A_12] : memref<4096x768xf32, #tpu.memory_space<hbm>> -> memref<128x768xf32, #tpu.memory_space<hbm>>
      %dma_start3A_14 = arith.constant 0 : i32
      %dma_start3A_15 = tpu.memref_slice %arg4[%add3A_6, %dma_start3A_14] : memref<4096x768xf32, #tpu.memory_space<hbm>> -> memref<128x768xf32, #tpu.memory_space<hbm>>
      tpu.enqueue_dma source(%arg6 : memref<128x768xf32, #tpu.memory_space<vmem>>) target(%dma_start3A_15 : memref<128x768xf32, #tpu.memory_space<hbm>>) target_semaphore(%run_scoped3A : memref<!tpu.dma_semaphore, #tpu.memory_space<semaphore_mem>>)
      %dma_wait3A_16 = arith.constant 0 : i32
      %dma_wait3A_17 = tpu.memref_slice %arg4[%add3A_6, %dma_wait3A_16] : memref<4096x768xf32, #tpu.memory_space<hbm>> -> memref<128x768xf32, #tpu.memory_space<hbm>>
      %dma_wait3A_18 = arith.constant 0 : i32
      %dma_wait3A_19 = tpu.memref_slice %arg4[%add3A_6, %dma_wait3A_18] : memref<4096x768xf32, #tpu.memory_space<hbm>> -> memref<128x768xf32, #tpu.memory_space<hbm>>
      tpu.wait_dma2 semaphore(%run_scoped3A : memref<!tpu.dma_semaphore, #tpu.memory_space<semaphore_mem>>) src(%arg6 : memref<128x768xf32, #tpu.memory_space<vmem>>) dst(%dma_wait3A_19 : memref<128x768xf32, #tpu.memory_space<hbm>>)
      tpu.yield
    }) : () -> ()
    %scan3A_11 = arith.constant 1 : i32
    return
  }
}

module attributes {stable_mosaic.version = 14 : i64} {
  func.func @_gate_body(%arg0: memref<2048x768xf32, #tpu.memory_space<vmem>>, %arg1: memref<768x768xf32, #tpu.memory_space<vmem>>, %arg2: memref<1x768xf32, #tpu.memory_space<vmem>>, %arg3: memref<64x768xf32, #tpu.memory_space<vmem>>, %arg4: memref<1x64xf32, #tpu.memory_space<vmem>>, %arg5: memref<2048x64xf32, #tpu.memory_space<vmem>>, %arg6: memref<2048x2xf32, #tpu.memory_space<vmem>>, %arg7: memref<2048x2xi32, #tpu.memory_space<vmem>>, %arg8: memref<128x1xi32, #tpu.memory_space<vmem>>, %arg9: memref<1x1xi32, #tpu.memory_space<vmem>>) attributes {dimension_semantics = [], scalar_prefetch = 0 : i64, scratch_operands = 0 : i64, tpu.core_type = #tpu.core_type<tc>} {
    %get3A = arith.constant 0 : index
    %get3A_0 = arith.constant 0 : index
    %get3A_1 = vector.load %arg0[%get3A, %get3A_0] : memref<2048x768xf32, #tpu.memory_space<vmem>>, vector<2048x768xf32>
    %get3A_2 = arith.constant 0 : index
    %get3A_3 = arith.constant 0 : index
    %get3A_4 = vector.load %arg1[%get3A_2, %get3A_3] : memref<768x768xf32, #tpu.memory_space<vmem>>, vector<768x768xf32>
    %dot_general3A = arith.constant dense<0.000000e+00> : vector<2048x768xf32>
    %dot_general3A_5 = tpu.matmul %get3A_1, %get3A_4, %dot_general3A {dimension_numbers = #tpu.dot_dimension_numbers<[1], [1], [0], [0], [0, 0, 1, 0], [], []>, transpose_lhs_hint = false} : vector<2048x768xf32>, vector<768x768xf32>, vector<2048x768xf32> -> vector<2048x768xf32>
    %get3A_6 = arith.constant 0 : index
    %get3A_7 = arith.constant 0 : index
    %get3A_8 = vector.load %arg2[%get3A_6, %get3A_7] : memref<1x768xf32, #tpu.memory_space<vmem>>, vector<1x768xf32>
    %add3A = vector.broadcast %get3A_8 : vector<1x768xf32> to vector<2048x768xf32>
    %add3A_9 = arith.addf %dot_general3A_5, %add3A : vector<2048x768xf32>
    %gt3A = arith.constant 0.000000e+00 : f32
    %gt3A_10 = vector.broadcast %gt3A : f32 to vector<2048x768xf32>
    %gt3A_11 = arith.cmpf ogt, %add3A_9, %gt3A_10 : vector<2048x768xf32>
    %min3A = arith.constant 0.000000e+00 : f32
    %min3A_12 = vector.broadcast %min3A : f32 to vector<2048x768xf32>
    %min3A_13 = arith.minimumf %add3A_9, %min3A_12 : vector<2048x768xf32>
    %exp3A = math.exp %min3A_13 : vector<2048x768xf32>
    %sub3A = arith.constant 1.000000e+00 : f32
    %sub3A_14 = vector.broadcast %sub3A : f32 to vector<2048x768xf32>
    %sub3A_15 = arith.subf %exp3A, %sub3A_14 : vector<2048x768xf32>
    %select_n3A = arith.select %gt3A_11, %add3A_9, %sub3A_15 : vector<2048x768xi1>, vector<2048x768xf32>
    %get3A_16 = arith.constant 0 : index
    %get3A_17 = arith.constant 0 : index
    %get3A_18 = vector.load %arg3[%get3A_16, %get3A_17] : memref<64x768xf32, #tpu.memory_space<vmem>>, vector<64x768xf32>
    %dot_general3A_19 = arith.constant dense<0.000000e+00> : vector<2048x64xf32>
    %dot_general3A_20 = tpu.matmul %select_n3A, %get3A_18, %dot_general3A_19 {dimension_numbers = #tpu.dot_dimension_numbers<[1], [1], [0], [0], [0, 0, 1, 0], [], []>, transpose_lhs_hint = false} : vector<2048x768xf32>, vector<64x768xf32>, vector<2048x64xf32> -> vector<2048x64xf32>
    %get3A_21 = arith.constant 0 : index
    %get3A_22 = arith.constant 0 : index
    %get3A_23 = vector.load %arg4[%get3A_21, %get3A_22] : memref<1x64xf32, #tpu.memory_space<vmem>>, vector<1x64xf32>
    %add3A_24 = vector.broadcast %get3A_23 : vector<1x64xf32> to vector<2048x64xf32>
    %add3A_25 = arith.addf %dot_general3A_20, %add3A_24 : vector<2048x64xf32>
    %swap3A = arith.constant 0 : index
    %swap3A_26 = arith.constant 0 : index
    %swap3A_27 = vector.load %arg5[%swap3A, %swap3A_26] : memref<2048x64xf32, #tpu.memory_space<vmem>>, vector<2048x64xf32>
    tpu.vector_store %arg5[%swap3A, %swap3A_26], %add3A_25 {strides = array<i32>} : memref<2048x64xf32, #tpu.memory_space<vmem>>, vector<2048x64xf32>,
    %iota3A = tpu.iota {dimensions = array<i32: 1>} : vector<2048x64xi32>
    %reduce_max3A = arith.constant dense<0xFF800000> : vector<2048xf32>
    %reduce_max3A_28 = vector.multi_reduction <maximumf>, %add3A_25, %reduce_max3A [1] : vector<2048x64xf32> to vector<2048xf32>
    %broadcast_in_dim3A = vector.shape_cast %reduce_max3A_28 : vector<2048xf32> to vector<2048x1xf32>
    %eq3A = vector.broadcast %broadcast_in_dim3A : vector<2048x1xf32> to vector<2048x64xf32>
    %eq3A_29 = arith.cmpf oeq, %add3A_25, %eq3A : vector<2048x64xf32>
    %jit3A = arith.constant 64 : i32
    %broadcast_in_dim3A_30 = vector.broadcast %jit3A : i32 to vector<2048x64xi32>
    %select_n3A_31 = arith.select %eq3A_29, %iota3A, %broadcast_in_dim3A_30 : vector<2048x64xi1>, vector<2048x64xi32>
    %reduce_min3A = arith.constant dense<2147483647> : vector<2048xi32>
    %reduce_min3A_32 = vector.multi_reduction <minsi>, %select_n3A_31, %reduce_min3A [1] : vector<2048x64xi32> to vector<2048xi32>
    %broadcast_in_dim3A_33 = vector.shape_cast %reduce_min3A_32 : vector<2048xi32> to vector<2048x1xi32>
    %eq3A_34 = vector.broadcast %broadcast_in_dim3A_33 : vector<2048x1xi32> to vector<2048x64xi32>
    %eq3A_35 = arith.cmpi eq, %iota3A, %eq3A_34 : vector<2048x64xi32>
    %jit3A_36 = arith.constant -1.000000e+30 : f32
    %broadcast_in_dim3A_37 = vector.broadcast %jit3A_36 : f32 to vector<2048x64xf32>
    %select_n3A_38 = arith.select %eq3A_35, %broadcast_in_dim3A_37, %add3A_25 : vector<2048x64xi1>, vector<2048x64xf32>
    %reduce_max3A_39 = arith.constant dense<0xFF800000> : vector<2048xf32>
    %reduce_max3A_40 = vector.multi_reduction <maximumf>, %select_n3A_38, %reduce_max3A_39 [1] : vector<2048x64xf32> to vector<2048xf32>
    %broadcast_in_dim3A_41 = vector.shape_cast %reduce_max3A_40 : vector<2048xf32> to vector<2048x1xf32>
    %eq3A_42 = vector.broadcast %broadcast_in_dim3A_41 : vector<2048x1xf32> to vector<2048x64xf32>
    %eq3A_43 = arith.cmpf oeq, %select_n3A_38, %eq3A_42 : vector<2048x64xf32>
    %jit3A_44 = arith.constant 64 : i32
    %broadcast_in_dim3A_45 = vector.broadcast %jit3A_44 : i32 to vector<2048x64xi32>
    %select_n3A_46 = arith.select %eq3A_43, %iota3A, %broadcast_in_dim3A_45 : vector<2048x64xi1>, vector<2048x64xi32>
    %reduce_min3A_47 = arith.constant dense<2147483647> : vector<2048xi32>
    %reduce_min3A_48 = vector.multi_reduction <minsi>, %select_n3A_46, %reduce_min3A_47 [1] : vector<2048x64xi32> to vector<2048xi32>
    %broadcast_in_dim3A_49 = vector.shape_cast %reduce_min3A_48 : vector<2048xi32> to vector<2048x1xi32>
    %sub3A_50 = arith.subf %broadcast_in_dim3A_41, %broadcast_in_dim3A : vector<2048x1xf32>
    %exp3A_51 = math.exp %sub3A_50 : vector<2048x1xf32>
    %add3A_52 = arith.constant 1.000000e+00 : f32
    %add3A_53 = vector.broadcast %add3A_52 : f32 to vector<2048x1xf32>
    %add3A_54 = arith.addf %add3A_53, %exp3A_51 : vector<2048x1xf32>
    %div3A = arith.constant 1.000000e+00 : f32
    %div3A_55 = vector.broadcast %div3A : f32 to vector<2048x1xf32>
    %div3A_56 = arith.divf %div3A_55, %add3A_54 : vector<2048x1xf32>
    %sub3A_57 = arith.constant 1.000000e+00 : f32
    %sub3A_58 = vector.broadcast %sub3A_57 : f32 to vector<2048x1xf32>
    %sub3A_59 = arith.subf %sub3A_58, %div3A_56 : vector<2048x1xf32>
    %concatenate3A = tpu.concatenate %div3A_56, %sub3A_59 in 1 : vector<2048x1xf32>, vector<2048x1xf32> -> vector<2048x2xf32>
    %swap3A_60 = arith.constant 0 : index
    %swap3A_61 = arith.constant 0 : index
    %swap3A_62 = vector.load %arg6[%swap3A_60, %swap3A_61] : memref<2048x2xf32, #tpu.memory_space<vmem>>, vector<2048x2xf32>
    tpu.vector_store %arg6[%swap3A_60, %swap3A_61], %concatenate3A {strides = array<i32>} : memref<2048x2xf32, #tpu.memory_space<vmem>>, vector<2048x2xf32>,
    %eq3A_63 = vector.broadcast %broadcast_in_dim3A_33 : vector<2048x1xi32> to vector<2048x64xi32>
    %eq3A_64 = arith.cmpi eq, %iota3A, %eq3A_63 : vector<2048x64xi32>
    %convert_element_type3A = arith.extui %eq3A_64 : vector<2048x64xi1> to vector<2048x64xi32>
    %convert_element_type3A_65 = arith.sitofp %convert_element_type3A : vector<2048x64xi32> to vector<2048x64xf32>
    %eq3A_66 = vector.broadcast %broadcast_in_dim3A_49 : vector<2048x1xi32> to vector<2048x64xi32>
    %eq3A_67 = arith.cmpi eq, %iota3A, %eq3A_66 : vector<2048x64xi32>
    %convert_element_type3A_68 = arith.extui %eq3A_67 : vector<2048x64xi1> to vector<2048x64xi32>
    %convert_element_type3A_69 = arith.sitofp %convert_element_type3A_68 : vector<2048x64xi32> to vector<2048x64xf32>
    %add3A_70 = arith.addf %convert_element_type3A_65, %convert_element_type3A_69 : vector<2048x64xf32>
    %iota3A_71 = tpu.iota {dimensions = array<i32: 0>} : vector<2048x2048xi32>
    %iota3A_72 = tpu.iota {dimensions = array<i32: 1>} : vector<2048x2048xi32>
    %lt3A = arith.cmpi slt, %iota3A_72, %iota3A_71 : vector<2048x2048xi32>
    %convert_element_type3A_73 = arith.extui %lt3A : vector<2048x2048xi1> to vector<2048x2048xi32>
    %convert_element_type3A_74 = arith.sitofp %convert_element_type3A_73 : vector<2048x2048xi32> to vector<2048x2048xf32>
    %dot_general3A_75 = arith.constant dense<0.000000e+00> : vector<2048x64xf32>
    %dot_general3A_76 = tpu.matmul %convert_element_type3A_74, %add3A_70, %dot_general3A_75 {dimension_numbers = #tpu.dot_dimension_numbers<[1], [0], [0], [1], [0, 0, 1, 1], [], []>, transpose_lhs_hint = false} : vector<2048x2048xf32>, vector<2048x64xf32>, vector<2048x64xf32> -> vector<2048x64xf32>
    %reduce_sum3A = arith.constant dense<0.000000e+00> : vector<64xf32>
    %reduce_sum3A_77 = vector.multi_reduction <add>, %add3A_70, %reduce_sum3A [0] : vector<2048x64xf32> to vector<64xf32>
    %broadcast_in_dim3A_78 = vector.shape_cast %reduce_sum3A_77 : vector<64xf32> to vector<1x64xf32>
    %add3A_79 = arith.constant 1.270000e+02 : f32
    %add3A_80 = vector.broadcast %add3A_79 : f32 to vector<1x64xf32>
    %add3A_81 = arith.addf %broadcast_in_dim3A_78, %add3A_80 : vector<1x64xf32>
    %mul3A = arith.constant 7.812500e-03 : f32
    %mul3A_82 = vector.broadcast %mul3A : f32 to vector<1x64xf32>
    %mul3A_83 = arith.mulf %add3A_81, %mul3A_82 : vector<1x64xf32>
    %floor3A = math.floor %mul3A_83 : vector<1x64xf32>
    %iota3A_84 = tpu.iota {dimensions = array<i32: 0>} : vector<64x64xi32>
    %iota3A_85 = tpu.iota {dimensions = array<i32: 1>} : vector<64x64xi32>
    %lt3A_86 = arith.cmpi slt, %iota3A_84, %iota3A_85 : vector<64x64xi32>
    %convert_element_type3A_87 = arith.extui %lt3A_86 : vector<64x64xi1> to vector<64x64xi32>
    %convert_element_type3A_88 = arith.sitofp %convert_element_type3A_87 : vector<64x64xi32> to vector<64x64xf32>
    %dot_general3A_89 = arith.constant dense<0.000000e+00> : vector<1x64xf32>
    %dot_general3A_90 = tpu.matmul %floor3A, %convert_element_type3A_88, %dot_general3A_89 {dimension_numbers = #tpu.dot_dimension_numbers<[1], [0], [0], [1], [0, 0, 1, 1], [], []>, transpose_lhs_hint = false} : vector<1x64xf32>, vector<64x64xf32>, vector<1x64xf32> -> vector<1x64xf32>
    %mul3A_91 = arith.constant 1.280000e+02 : f32
    %mul3A_92 = vector.broadcast %mul3A_91 : f32 to vector<1x64xf32>
    %mul3A_93 = arith.mulf %dot_general3A_90, %mul3A_92 : vector<1x64xf32>
    %add3A_94 = vector.broadcast %mul3A_93 : vector<1x64xf32> to vector<2048x64xf32>
    %add3A_95 = arith.addf %dot_general3A_76, %add3A_94 : vector<2048x64xf32>
    %mul3A_96 = arith.mulf %convert_element_type3A_65, %add3A_95 : vector<2048x64xf32>
    %reduce_sum3A_97 = arith.constant dense<0.000000e+00> : vector<2048xf32>
    %reduce_sum3A_98 = vector.multi_reduction <add>, %mul3A_96, %reduce_sum3A_97 [1] : vector<2048x64xf32> to vector<2048xf32>
    %broadcast_in_dim3A_99 = vector.shape_cast %reduce_sum3A_98 : vector<2048xf32> to vector<2048x1xf32>
    %mul3A_100 = arith.mulf %convert_element_type3A_69, %add3A_95 : vector<2048x64xf32>
    %reduce_sum3A_101 = arith.constant dense<0.000000e+00> : vector<2048xf32>
    %reduce_sum3A_102 = vector.multi_reduction <add>, %mul3A_100, %reduce_sum3A_101 [1] : vector<2048x64xf32> to vector<2048xf32>
    %broadcast_in_dim3A_103 = vector.shape_cast %reduce_sum3A_102 : vector<2048xf32> to vector<2048x1xf32>
    %concatenate3A_104 = tpu.concatenate %broadcast_in_dim3A_99, %broadcast_in_dim3A_103 in 1 : vector<2048x1xf32>, vector<2048x1xf32> -> vector<2048x2xf32>
    %convert_element_type3A_105 = arith.fptosi %concatenate3A_104 : vector<2048x2xf32> to vector<2048x2xi32>
    %swap3A_106 = arith.constant 0 : index
    %swap3A_107 = arith.constant 0 : index
    %swap3A_108 = vector.load %arg7[%swap3A_106, %swap3A_107] : memref<2048x2xi32, #tpu.memory_space<vmem>>, vector<2048x2xi32>
    tpu.vector_store %arg7[%swap3A_106, %swap3A_107], %convert_element_type3A_105 {strides = array<i32>} : memref<2048x2xi32, #tpu.memory_space<vmem>>, vector<2048x2xi32>,
    %iota3A_109 = tpu.iota {dimensions = array<i32: 0>} : vector<128x64xi32>
    %convert_element_type3A_110 = arith.sitofp %iota3A_109 : vector<128x64xi32> to vector<128x64xf32>
    %le3A = vector.broadcast %dot_general3A_90 : vector<1x64xf32> to vector<128x64xf32>
    %le3A_111 = arith.cmpf ole, %le3A, %convert_element_type3A_110 : vector<128x64xf32>
    %convert_element_type3A_112 = arith.extui %le3A_111 : vector<128x64xi1> to vector<128x64xi32>
    %convert_element_type3A_113 = arith.sitofp %convert_element_type3A_112 : vector<128x64xi32> to vector<128x64xf32>
    %reduce_sum3A_114 = arith.constant dense<0.000000e+00> : vector<128xf32>
    %reduce_sum3A_115 = vector.multi_reduction <add>, %convert_element_type3A_113, %reduce_sum3A_114 [1] : vector<128x64xf32> to vector<128xf32>
    %broadcast_in_dim3A_116 = vector.shape_cast %reduce_sum3A_115 : vector<128xf32> to vector<128x1xf32>
    %sub3A_117 = arith.constant 1.000000e+00 : f32
    %sub3A_118 = vector.broadcast %sub3A_117 : f32 to vector<128x1xf32>
    %sub3A_119 = arith.subf %broadcast_in_dim3A_116, %sub3A_118 : vector<128x1xf32>
    %convert_element_type3A_120 = arith.fptosi %sub3A_119 : vector<128x1xf32> to vector<128x1xi32>
    %swap3A_121 = arith.constant 0 : index
    %swap3A_122 = arith.constant 0 : index
    %swap3A_123 = vector.load %arg8[%swap3A_121, %swap3A_122] : memref<128x1xi32, #tpu.memory_space<vmem>>, vector<128x1xi32>
    tpu.vector_store %arg8[%swap3A_121, %swap3A_122], %convert_element_type3A_120 {strides = array<i32>} : memref<128x1xi32, #tpu.memory_space<vmem>>, vector<128x1xi32>,
    %slice3A = vector.extract_strided_slice %dot_general3A_90 {offsets = [0, 63], sizes = [1, 1], strides = [1, 1]} : vector<1x64xf32> to vector<1x1xf32>
    %slice3A_124 = vector.extract_strided_slice %floor3A {offsets = [0, 63], sizes = [1, 1], strides = [1, 1]} : vector<1x64xf32> to vector<1x1xf32>
    %add3A_125 = arith.addf %slice3A, %slice3A_124 : vector<1x1xf32>
    %convert_element_type3A_126 = arith.fptosi %add3A_125 : vector<1x1xf32> to vector<1x1xi32>
    %swap3A_127 = arith.constant 0 : index
    %swap3A_128 = arith.constant 0 : index
    %swap3A_129 = vector.load %arg9[%swap3A_127, %swap3A_128] : memref<1x1xi32, #tpu.memory_space<vmem>>, vector<1x1xi32>
    tpu.vector_store %arg9[%swap3A_127, %swap3A_128], %convert_element_type3A_126 {strides = array<i32>} : memref<1x1xi32, #tpu.memory_space<vmem>>, vector<1x1xi32>,
    return
  }
}

module attributes {stable_mosaic.version = 14 : i64} {
  func.func @_gmm_body(%arg0: i32, %arg1: memref<96xi32, #tpu.memory_space<smem>>, %arg2: memref<1xi32, #tpu.memory_space<smem>>, %arg3: memref<128x768xf32, #tpu.memory_space<vmem>>, %arg4: memref<1x1024x768xf32, #tpu.memory_space<vmem>>, %arg5: memref<1x1024x768xf32, #tpu.memory_space<vmem>>, %arg6: memref<1x768x1024xf32, #tpu.memory_space<vmem>>, %arg7: memref<128x768xf32, #tpu.memory_space<vmem>>) attributes {dimension_semantics = [#tpu.dimension_semantics<arbitrary>], iteration_bounds = array<i64: 96>, scalar_prefetch = 2 : i64, scratch_operands = 0 : i64, tpu.core_type = #tpu.core_type<tc>, window_params = [{transform_indices = @transform_0, window_bounds = array<i64: 128, 768>}, {transform_indices = @transform_1, window_bounds = array<i64: 1, 1024, 768>}, {transform_indices = @transform_2, window_bounds = array<i64: 1, 1024, 768>}, {transform_indices = @transform_3, window_bounds = array<i64: 1, 768, 1024>}, {transform_indices = @transform_4, window_bounds = array<i64: 128, 768>}]} {
    %get3A = arith.constant 0 : index
    %get3A_0 = memref.load %arg2[%get3A] : memref<1xi32, #tpu.memory_space<smem>>
    %lt3A = arith.cmpi slt, %arg0, %get3A_0 : i32
    %convert_element_type3A = arith.extui %lt3A : i1 to i32
    %cond3A = arith.constant 0 : i32
    %cond3A_1 = arith.cmpi ne, %convert_element_type3A, %cond3A : i32
    scf.if %cond3A_1 {
      %get3A_2 = arith.constant 0 : index
      %get3A_3 = arith.constant 0 : index
      %get3A_4 = vector.load %arg3[%get3A_2, %get3A_3] : memref<128x768xf32, #tpu.memory_space<vmem>>, vector<128x768xf32>
      %get3A_5 = arith.constant 0 : index
      %get3A_6 = arith.constant 0 : index
      %get3A_7 = arith.constant 0 : index
      %get3A_8 = vector.load %arg4[%get3A_5, %get3A_6, %get3A_7] : memref<1x1024x768xf32, #tpu.memory_space<vmem>>, vector<1x1024x768xf32>
      %get3A_9 = vector.shape_cast %get3A_8 : vector<1x1024x768xf32> to vector<1024x768xf32>
      %dot_general3A = arith.constant dense<0.000000e+00> : vector<128x1024xf32>
      %dot_general3A_10 = tpu.matmul %get3A_4, %get3A_9, %dot_general3A {dimension_numbers = #tpu.dot_dimension_numbers<[1], [1], [0], [0], [0, 0, 1, 0], [], []>, transpose_lhs_hint = false} : vector<128x768xf32>, vector<1024x768xf32>, vector<128x1024xf32> -> vector<128x1024xf32>
      %get3A_11 = arith.constant 0 : index
      %get3A_12 = arith.constant 0 : index
      %get3A_13 = arith.constant 0 : index
      %get3A_14 = vector.load %arg5[%get3A_11, %get3A_12, %get3A_13] : memref<1x1024x768xf32, #tpu.memory_space<vmem>>, vector<1x1024x768xf32>
      %get3A_15 = vector.shape_cast %get3A_14 : vector<1x1024x768xf32> to vector<1024x768xf32>
      %dot_general3A_16 = arith.constant dense<0.000000e+00> : vector<128x1024xf32>
      %dot_general3A_17 = tpu.matmul %get3A_4, %get3A_15, %dot_general3A_16 {dimension_numbers = #tpu.dot_dimension_numbers<[1], [1], [0], [0], [0, 0, 1, 0], [], []>, transpose_lhs_hint = false} : vector<128x768xf32>, vector<1024x768xf32>, vector<128x1024xf32> -> vector<128x1024xf32>
      %max3A = arith.constant 0.000000e+00 : f32
      %max3A_18 = vector.broadcast %max3A : f32 to vector<128x1024xf32>
      %max3A_19 = arith.maximumf %dot_general3A_10, %max3A_18 : vector<128x1024xf32>
      %mul3A = arith.mulf %max3A_19, %dot_general3A_17 : vector<128x1024xf32>
      %get3A_20 = arith.constant 0 : index
      %get3A_21 = arith.constant 0 : index
      %get3A_22 = arith.constant 0 : index
      %get3A_23 = vector.load %arg6[%get3A_20, %get3A_21, %get3A_22] : memref<1x768x1024xf32, #tpu.memory_space<vmem>>, vector<1x768x1024xf32>
      %get3A_24 = vector.shape_cast %get3A_23 : vector<1x768x1024xf32> to vector<768x1024xf32>
      %dot_general3A_25 = arith.constant dense<0.000000e+00> : vector<128x768xf32>
      %dot_general3A_26 = tpu.matmul %mul3A, %get3A_24, %dot_general3A_25 {dimension_numbers = #tpu.dot_dimension_numbers<[1], [1], [0], [0], [0, 0, 1, 0], [], []>, transpose_lhs_hint = false} : vector<128x1024xf32>, vector<768x1024xf32>, vector<128x768xf32> -> vector<128x768xf32>
      %swap3A = arith.constant 0 : index
      %swap3A_27 = arith.constant 0 : index
      %swap3A_28 = vector.load %arg7[%swap3A, %swap3A_27] : memref<128x768xf32, #tpu.memory_space<vmem>>, vector<128x768xf32>
      tpu.vector_store %arg7[%swap3A, %swap3A_27], %dot_general3A_26 {strides = array<i32>} : memref<128x768xf32, #tpu.memory_space<vmem>>, vector<128x768xf32>,
    } else {
    }
    return
  }
  func.func @transform_0(%arg0: i32, %arg1: memref<96xi32, #tpu.memory_space<smem>>, %arg2: memref<1xi32, #tpu.memory_space<smem>>) -> (i32, i32) {
    %get3A = arith.constant 0 : index
    %get3A_0 = memref.load %arg2[%get3A] : memref<1xi32, #tpu.memory_space<smem>>
    %lt3A = arith.cmpi slt, %arg0, %get3A_0 : i32
    %jit3A = arith.constant 95 : i32
    %select_n3A = arith.select %lt3A, %arg0, %jit3A : i32
    %c0_i32 = arith.constant 0 : i32
    %c0_i32_1 = arith.constant 0 : i32
    return %select_n3A, %c0_i32 : i32, i32
  }
  func.func @transform_1(%arg0: i32, %arg1: memref<96xi32, #tpu.memory_space<smem>>, %arg2: memref<1xi32, #tpu.memory_space<smem>>) -> (i32, i32, i32) {
    %get3A = arith.index_cast %arg0 : i32 to index
    %get3A_0 = memref.load %arg1[%get3A] : memref<96xi32, #tpu.memory_space<smem>>
    %c0_i32 = arith.constant 0 : i32
    %c0_i32_1 = arith.constant 0 : i32
    %c0_i32_2 = arith.constant 0 : i32
    return %get3A_0, %c0_i32, %c0_i32_1 : i32, i32, i32
  }
  func.func @transform_2(%arg0: i32, %arg1: memref<96xi32, #tpu.memory_space<smem>>, %arg2: memref<1xi32, #tpu.memory_space<smem>>) -> (i32, i32, i32) {
    %get3A = arith.index_cast %arg0 : i32 to index
    %get3A_0 = memref.load %arg1[%get3A] : memref<96xi32, #tpu.memory_space<smem>>
    %c0_i32 = arith.constant 0 : i32
    %c0_i32_1 = arith.constant 0 : i32
    %c0_i32_2 = arith.constant 0 : i32
    return %get3A_0, %c0_i32, %c0_i32_1 : i32, i32, i32
  }
  func.func @transform_3(%arg0: i32, %arg1: memref<96xi32, #tpu.memory_space<smem>>, %arg2: memref<1xi32, #tpu.memory_space<smem>>) -> (i32, i32, i32) {
    %get3A = arith.index_cast %arg0 : i32 to index
    %get3A_0 = memref.load %arg1[%get3A] : memref<96xi32, #tpu.memory_space<smem>>
    %c0_i32 = arith.constant 0 : i32
    %c0_i32_1 = arith.constant 0 : i32
    %c0_i32_2 = arith.constant 0 : i32
    return %get3A_0, %c0_i32, %c0_i32_1 : i32, i32, i32
  }
  func.func @transform_4(%arg0: i32, %arg1: memref<96xi32, #tpu.memory_space<smem>>, %arg2: memref<1xi32, #tpu.memory_space<smem>>) -> (i32, i32) {
    %get3A = arith.constant 0 : index
    %get3A_0 = memref.load %arg2[%get3A] : memref<1xi32, #tpu.memory_space<smem>>
    %lt3A = arith.cmpi slt, %arg0, %get3A_0 : i32
    %jit3A = arith.constant 95 : i32
    %select_n3A = arith.select %lt3A, %arg0, %jit3A : i32
    %c0_i32 = arith.constant 0 : i32
    %c0_i32_1 = arith.constant 0 : i32
    return %select_n3A, %c0_i32 : i32, i32
  }
}

module attributes {stable_mosaic.version = 14 : i64} {
  func.func @_wadd_body(%arg0: i32, %arg1: memref<512x2x768xf32, #tpu.memory_space<vmem>>, %arg2: memref<512x2xf32, #tpu.memory_space<vmem>>, %arg3: memref<512x768xf32, #tpu.memory_space<vmem>>) attributes {dimension_semantics = [#tpu.dimension_semantics<arbitrary>], iteration_bounds = array<i64: 4>, scalar_prefetch = 0 : i64, scratch_operands = 0 : i64, tpu.core_type = #tpu.core_type<tc>, window_params = [{transform_indices = @transform_0, window_bounds = array<i64: 512, 2, 768>}, {transform_indices = @transform_1, window_bounds = array<i64: 512, 2>}, {transform_indices = @transform_2, window_bounds = array<i64: 512, 768>}]} {
    %get3A = arith.constant 0 : index
    %get3A_0 = arith.constant 0 : index
    %get3A_1 = arith.constant 0 : index
    %get3A_2 = vector.load %arg1[%get3A, %get3A_0, %get3A_1] : memref<512x2x768xf32, #tpu.memory_space<vmem>>, vector<512x1x768xf32>
    %get3A_3 = vector.shape_cast %get3A_2 : vector<512x1x768xf32> to vector<512x768xf32>
    %get3A_4 = arith.constant 0 : index
    %get3A_5 = arith.constant 0 : index
    %get3A_6 = vector.load %arg2[%get3A_4, %get3A_5] : memref<512x2xf32, #tpu.memory_space<vmem>>, vector<512x1xf32>
    %mul3A = vector.broadcast %get3A_6 : vector<512x1xf32> to vector<512x768xf32>
    %mul3A_7 = arith.mulf %get3A_3, %mul3A : vector<512x768xf32>
    %get3A_8 = arith.constant 0 : index
    %get3A_9 = arith.constant 1 : index
    %get3A_10 = arith.constant 0 : index
    %get3A_11 = vector.load %arg1[%get3A_8, %get3A_9, %get3A_10] : memref<512x2x768xf32, #tpu.memory_space<vmem>>, vector<512x1x768xf32>
    %get3A_12 = vector.shape_cast %get3A_11 : vector<512x1x768xf32> to vector<512x768xf32>
    %get3A_13 = arith.constant 0 : index
    %get3A_14 = arith.constant 1 : index
    %get3A_15 = vector.load %arg2[%get3A_13, %get3A_14] : memref<512x2xf32, #tpu.memory_space<vmem>>, vector<512x1xf32>
    %mul3A_16 = vector.broadcast %get3A_15 : vector<512x1xf32> to vector<512x768xf32>
    %mul3A_17 = arith.mulf %get3A_12, %mul3A_16 : vector<512x768xf32>
    %add3A = arith.addf %mul3A_7, %mul3A_17 : vector<512x768xf32>
    %swap3A = arith.constant 0 : index
    %swap3A_18 = arith.constant 0 : index
    %swap3A_19 = vector.load %arg3[%swap3A, %swap3A_18] : memref<512x768xf32, #tpu.memory_space<vmem>>, vector<512x768xf32>
    tpu.vector_store %arg3[%swap3A, %swap3A_18], %add3A {strides = array<i32>} : memref<512x768xf32, #tpu.memory_space<vmem>>, vector<512x768xf32>,
    return
  }
  func.func @transform_0(%arg0: i32) -> (i32, i32, i32) {
    %c0_i32 = arith.constant 0 : i32
    %c0_i32_0 = arith.constant 0 : i32
    %c0_i32_1 = arith.constant 0 : i32
    return %arg0, %c0_i32, %c0_i32_0 : i32, i32, i32
  }
  func.func @transform_1(%arg0: i32) -> (i32, i32) {
    %c0_i32 = arith.constant 0 : i32
    %c0_i32_0 = arith.constant 0 : i32
    return %arg0, %c0_i32 : i32, i32
  }
  func.func @transform_2(%arg0: i32) -> (i32, i32) {
    %c0_i32 = arith.constant 0 : i32
    %c0_i32_0 = arith.constant 0 : i32
    return %arg0, %c0_i32 : i32, i32
  }
}

</mosaic_0001>

<sc_bundles>
// kernel: kernel.10.cloned.1.call-start
scs
__scs_entry_jumppad:
0x0: {  	(pc) =	sbr.rel $0x88, $3  }
0x1: {  	(tag) =	ssettag $0x0;
	lr =	simm.s32 $0x1  }
0x2: {  	[smem:$0x3F99] =	sst lr;
	_ =	strace $0xD0000000  }
0x3: {  	_ = 	snop  }
0x4: {  	_ = 	snop  }
0x5: {  	_ = 	snop  }
0x6: {  	_ = 	snop  }
0x7: {  	_ = 	snop  }
__scs_overlays_trampoline_lowered:
0x8: {  	[smem:$0x3FA8] =	sst s0  }
0x9: {  	[smem:$0x3FA9] =	sst s1  }
0xa: {  	[smem:$0x3FAA] =	sst s2  }
0xb: {  	[smem:$0x3FAB] =	sst s3  }
0xc: {  	[smem:$0x3FAC] =	sst s4  }
0xd: {  	[smem:$0x3FAD] =	sst s5  }
0xe: {  	[smem:$0x3FAE] =	sst s6  }
0xf: {  	[smem:$0x3FAF] =	sst s7  }
0x10: {  	[smem:$0x3FB0] =	sst s8  }
0x11: {  	[smem:$0x3FB1] =	sst s9;
	s0 =	simm.s32 @!p0 $0x0  }
0x12: {  	s1 =	sld [smem:$0x3F97];
	s0 =	simm.s32 @p0 $0x1  }
0x13: {  	[smem:$0x3FB2] =	sst s0;
	s0 =	simm.s32 @!p1 $0x0  }
0x14: {  	s2 =	sld [smem:$0x3F96];
	s0 =	simm.s32 @p1 $0x1  }
0x15: {  	[smem:$0x3FB3] =	sst s0;
	s0 =	simm.s32 @!p2 $0x0  }
0x16: {  	s3 =	sld [smem:$0x3FDB];
	s0 =	simm.s32 @p2 $0x1  }
0x17: {  	s4 =	simm.s32 $0x1BF5;
	[smem:$0x3FB5] =	sst s0  }
0x18: {  	s0 =	sld [smem:$0x3F98];
	_ =	swait.ge [sflag:s4], $0x0  }
0x19: {  	s7 =	sld [smem:$0x3F99]  }
0x1a: {  	s8 =	sadd.s32 $0xFFFFE003, lr  }
0x1b: {  	s9 =	sadd.s32 $0xFFFFFEF7, lr;
	s5 =	simm.s32 $0xFFFFFFFF;
	p2 =	slt.u32 s8, $0xFFFFF086  }
0x1c: {  	p1 =	slt.u32 s9, $0xF7A;
	s5 =	simm.s32 @!p2 $0x0  }
0x1d: {  	s5 =	simm.s32 @p1 $0x1;
	p0 =	seq.s32 s7, s2  }
0x1e: {  	s7 =	smul.u32 @!p0 $0xF7A, s2;
	p2 =	seq.s32 @!p0 s5, $0x0  }
0x1f: {  	s9 =	smul.u32 $0xF7A, s1;
	s8 =	simm.s32 @!p0 $0x1BF5;
	p2 =	por !p2, p0  }
0x20: {  	[sflag:s8] =	ssyncset.s32 @!p0 $0xFFFFF086;
	s6 =	sadd.s32 @!p0 s3, s7;
	s7 =	simm.s32 @!p0 $0x108  }
0x21: {  	s3 =	sadd.s32 s3, s9;
	s6 =	sadd.s32 @!p0 $0x88, s6;
	s7 =	simm.s32 @p2 $0x1082  }
0x22: {  	[simem:s7], [sflag:s8] =	dma.local @!p0 [hbm:s6], $0xF7A  }
0x23: {  	s9 =	sor.u32 $0xD0000000, s2;
	s6 =	simm.s32 $0x108;
	_ =	swait.ge @!p0 [sflag:s8], $0x0  }
0x24: {  	s3 =	sadd.s32 $0x88, s3;
	s6 =	simm.s32 @!p1 $0x1082;
	[sflag:s4] =	ssyncset.s32 $0xFFFFF086  }
0x25: {  	[simem:s6], [sflag:s4] =	dma.local [hbm:s3], $0xF7A  }
0x26: {  	[smem:$0x3F99] =	sst s1;
	(tag) =	ssettag s2;
	_ =	strace s9  }
0x27: {  	s1 =	sld [smem:$0x3FA9]  }
0x28: {  	s2 =	sld [smem:$0x3FAA]  }
0x29: {  	s4 =	sld [smem:$0x3FAC]  }
0x2a: {  	p0 =	seq.s32 s5, $0x0;
	s5 =	sld [smem:$0x3FAD]  }
0x2b: {  	s6 =	sld [smem:$0x3FAE]  }
0x2c: {  	s7 =	sld [smem:$0x3FAF]  }
0x2d: {  	s3 =	simm.s32 $0x108;
	s8 =	sld [smem:$0x3FB0]  }
0x2e: {  	s3 =	simm.s32 @!p0 $0x1082;
	s9 =	sld [smem:$0x3FB1]  }
0x2f: {  	lr =	sadd.s32 s0, s3;
	s0 =	sld [smem:$0x3FA8]  }
0x30: {  	s3 =	sld [smem:$0x3FAB]  }
0x31: {  	[smem:$0x3FB4] =	sst s10  }
0x32: {  	s10 =	sld [smem:$0x3FB2];
	_ =	sdelay $0x3  }
0x33: {  	p0 =	seq.s32 s10, $0x1;
	s10 =	sld [smem:$0x3FB4];
	_ =	sdelay $0x3  }
0x34: {  	[smem:$0x3FB4] =	sst s10  }
0x35: {  	s10 =	sld [smem:$0x3FB3];
	_ =	sdelay $0x3  }
0x36: {  	p1 =	seq.s32 s10, $0x1;
	s10 =	sld [smem:$0x3FB4];
	_ =	sdelay $0x3  }
0x37: {  	[smem:$0x3FB4] =	sst s10  }
0x38: {  	s10 =	sld [smem:$0x3FB5]  }
0x39: {  	_ = 	snop;
	(pc) =	sbr.ind lr, $3  }
0x3a: {  	_ = 	snop  }
0x3b: {  	_ = 	snop  }
0x3c: {  	p2 =	seq.s32 s10, $0x1;
	s10 =	sld [smem:$0x3FB4]  }
0x3d: {  	_ =	shalt  }
0x3e: {  	_ =	shalt  }
0x3f: {  	_ =	shalt  }
0x40: {  	_ =	shalt  }
0x41: {  	_ =	shalt  }
0x42: {  	_ =	shalt  }
0x43: {  	_ =	shalt  }
0x44: {  	_ =	shalt  }
0x45: {  	_ =	shalt  }
0x46: {  	_ =	shalt  }
0x47: {  	_ =	shalt  }
0x48: {  	_ =	shalt  }
0x49: {  	_ =	shalt  }
0x4a: {  	_ =	shalt  }
0x4b: {  	_ =	shalt  }
0x4c: {  	_ =	shalt  }
0x4d: {  	_ =	shalt  }
0x4e: {  	_ =	shalt  }
0x4f: {  	_ =	shalt  }
0x50: {  	_ =	shalt  }
0x51: {  	_ =	shalt  }
0x52: {  	_ =	shalt  }
0x53: {  	_ =	shalt  }
0x54: {  	_ =	shalt  }
0x55: {  	_ =	shalt  }
0x56: {  	_ =	shalt  }
0x57: {  	_ =	shalt  }
0x58: {  	_ =	shalt  }
0x59: {  	_ =	shalt  }
0x5a: {  	_ =	shalt  }
0x5b: {  	_ =	shalt  }
0x5c: {  	_ =	shalt  }
0x5d: {  	_ =	shalt  }
0x5e: {  	_ =	shalt  }
0x5f: {  	_ =	shalt  }
0x60: {  	_ =	shalt  }
0x61: {  	_ =	shalt  }
0x62: {  	_ =	shalt  }
0x63: {  	_ =	shalt  }
0x64: {  	_ =	shalt  }
0x65: {  	_ =	shalt  }
0x66: {  	_ =	shalt  }
0x67: {  	_ =	shalt  }
0x68: {  	_ =	shalt  }
0x69: {  	_ =	shalt  }
0x6a: {  	_ =	shalt  }
0x6b: {  	_ =	shalt  }
0x6c: {  	_ =	shalt  }
0x6d: {  	_ =	shalt  }
0x6e: {  	_ =	shalt  }
0x6f: {  	_ =	shalt  }
0x70: {  	_ =	shalt  }
0x71: {  	_ =	shalt  }
0x72: {  	_ =	shalt  }
0x73: {  	_ =	shalt  }
0x74: {  	_ =	shalt  }
0x75: {  	_ =	shalt  }
0x76: {  	_ =	shalt  }
0x77: {  	_ =	shalt  }
0x78: {  	_ =	shalt  }
0x79: {  	_ =	shalt  }
0x7a: {  	_ =	shalt  }
0x7b: {  	_ =	shalt  }
0x7c: {  	_ =	shalt  }
0x7d: {  	_ =	shalt  }
0x7e: {  	_ =	shalt  }
0x7f: {  	_ =	shalt  }
0x80: {  	_ =	shalt  }
0x81: {  	_ =	shalt  }
0x82: {  	_ =	shalt  }
0x83: {  	_ =	shalt  }
0x84: {  	_ =	shalt  }
0x85: {  	_ =	shalt  }
0x86: {  	_ =	shalt  }
0x87: {  	_ =	shalt  }
.Lfunc_end0:
.L_simem_size_0:
called_computation.1_lowered:
.L_overlay_start_0:
0x88: {  	s2 =	sld [smem:$0x3FD9]  }
0x89: {  	s3 =	sld [smem:$0x3FFE];
	_ =	sdelay $0x1  }
0x8a: {  	s1 =	srdreg.scid  }
0x8b: {  	s0 =	sand.u32 $0x1, s1  }
0x8c: {  	s16 =	sshll.u32 s0, $0xA;
	s2 =	sadd.s32 s3, s2  }
0x8d: {  	s2 =	sadd.s32 s2, s16  }
0x8e: {  	[smem:$0x3FC0] =	sst s2  }
0x8f: {  	_ = 	snop  }
0x90: {  	(tm) =	ssettm $0x1  }
0x91: {  	s17 =	sld [smem:$0x3FFB];
	_ =	sdelay $0x3  }
0x92: {  	_ =	strace s17  }
0x93: {  	s2 =	sld [smem:$0x3FFC];
	_ =	sdelay $0x3  }
0x94: {  	_ =	strace s2  }
0x95: {  	s2 =	sld [smem:$0x3FFD];
	_ =	sdelay $0x3  }
0x96: {  	_ =	strace s2  }
0x97: {  	_ =	strace $0x8FFFFFFF  }
0x98: {  	s18 =	sld [smem:$0x3FDB];
	_ =	sdelay $0x1  }
0x99: {  	s19 =	simm.s32 $_scs_section_size  }
0x9a: {  	s4 =	simm.s32 $_size__tile_overlayer_lowered;
	s5 =	simm.s32 $_tile_overlayer_lowered  }
0x9b: {  	s22 =	simm.s32 $0x1BFF;
	s21 =	sshll.u32 s5, $0x1;
	s2 =	sadd.s32 s19, s18  }
0x9c: {  	s6 =	simm.s32 $0x0;
	s20 =	sshll.u32 s4, $0x1;
	s4 =	sadd.s32 s21, s2  }
0x9d: {  	[timem:s6], [sflag:s22] =	dma.local [hbm:s4], s20  }
0x9e: {  	_ =	swait.ge [sflag:s22], s20  }
0x9f: {  	s3 =	ssub.s32 $0x0, s20;
	[sflag:s22] =	ssyncset.done $0x0  }
0xa0: {  	[sflag:s22] =	ssyncadd.s32 s3;
	_ =	sdelay $0x1  }
0xa1: {  	s23 =	simm.s32 $0x1B8B  }
0xa2: {  	_ =	swait.ge [sflag:s23], $0x1  }
0xa3: {  	[sflag:s23] =	ssyncset.done $0x0  }
0xa4: {  	s25 =	simm.s32 $0x1B8E;
	s24 =	sld [smem:$0x3FFE];
	[sflag:s23] =	ssyncadd.s32 $0xFFFFFFFF  }
0xa5: {  	s26 =	simm.s32 $execute0_lowered;
	[smem:$0x3FD2] =	sst s25  }
0xa6: {  	s4 =	sshll.u32 s26, $0x1;
	_ =	strace $0x80000049;
	[dreg:$0x1] =	wrdreg $0xFFFFFFFF  }
0xa7: {  	s28 =	simm.s32 $_size_execute0_lowered;
	s2 =	sadd.s32 s2, s4;
	[dreg:$0x0] =	wrdreg $0x0  }
0xa8: {  	s4 =	sshll.u32 s28, $0x1;
	[dreg:$0x2] =	wrdreg s2  }
0xa9: {  	[dreg:$0x3] =	wrdreg s4  }
0xaa: {  	[dreg:$0x4] =	wrdreg $0xC0  }
0xab: {  	_ =	task [dreg:s6], $0x5FFFF  }
0xac: {  	[dreg:$0x1] =	wrdreg $0xFFFFFFFF  }
0xad: {  	[dreg:$0x0] =	wrdreg $0x60  }
0xae: {  	[dreg:$0x2] =	wrdreg s24  }
0xaf: {  	[dreg:$0x3] =	wrdreg $0x9  }
0xb0: {  	_ =	task.clear_ibuf [dreg:s6], $0x4FFFF;
	_ =	strace $0x90000049  }
0xb1: {  	s29 =	simm.s32 $0x9;
	_ =	strace $0x8000004B  }
0xb2: {  	_ =	swait.ge [sflag:s29], $0x1  }
0xb3: {  	[sflag:s29] =	ssyncadd.s32 $0xFFFFFFFF  }
0xb4: {  	_ =	strace $0x9000004B  }
0xb5: {  	_ =	sfence  }
0xb6: {  	s30 =	sld [smem:$0x0];
	_ =	sdelay $0x2  }
0xb7: {  	s31 =	sshll.u32 s1, $0xD;
	s1 =	sshrl.u32 s1, $0x2  }
0xb8: {  	s3 =	sand.u32 $0x4000, s31;
	s1 =	sadd.s32 s1, s30  }
0xb9: {  	s0 =	sor.u32 s3, s0;
	s1 =	sshll.u32 s1, $0x11  }
0xba: {  	s0 =	sor.u32 s1, s0  }
0xbb: {  	s0 =	sadd.s32 $0x8F2B, s0  }
0xbc: {  	[sflag:s0] =	ssyncadd.remote.s32 $0x1  }
0xbd: {  	_ =	sfence.sel $0xFFFF  }
0xbe: {  	[dreg:$0x0] =	wrdreg $0xFFFFFFFF;
	(pc) =	sbr.abs _section_cstart, $3  }
0xbf: {  	[dreg:$0x1] =	wrdreg $0xFFFFFFFF  }
0xc0: {  	_ =	task.clear_ibuf [dreg:s6], $0x2FFFF;
	_ =	strace $0x9FFFFFFF  }
0xc1: {  	(tm) =	ssettm $0x7FFFFFFF  }
tec
execute0_lowered:
.L_overlay_start_1:
0x0: {  	(tag) =	ssettag $0x1  }
0x1: {  	s1 =	srdreg.scid  }
0x2: {  	s0 =	stileid.u32;
	s1 =	sand.u32 $0x1, s1  }
0x3: {  	s2 =	sshll.u32 s0, $0x5;
	s3 =	sshll.u32 s1, $0x4  }
0x4: {  	s5 =	rddreg [dreg:$0x0];
	s3 =	sor.u32 s3, s2;
	s2 =	simm.s32 $0x0  }
0x5: {  	s26 =	simm.s32 $0x880;
	[smem:$0x7FF] =	sst s2  }
0x6: {  	s0 =	simm.s32 $0x1080;
	_ =	strace $0x8000004A;
	[dreg:$0x4] =	wrdreg s26  }
0x7: {  	s6 =	simm.s32 $0x2080;
	[dreg:$0x5] =	wrdreg s0  }
0x8: {  	s7 =	simm.s32 $0x2880;
	[dreg:$0x7] =	wrdreg s6  }
0x9: {  	s8 =	simm.s32 $0x3080;
	[dreg:$0x8] =	wrdreg s7  }
0xa: {  	s9 =	simm.s32 $0x3880;
	[dreg:$0x9] =	wrdreg s8  }
0xb: {  	s10 =	simm.s32 $0x4080;
	[dreg:$0xa] =	wrdreg s9  }
0xc: {  	s11 =	simm.s32 $0x4880;
	[dreg:$0xb] =	wrdreg s10  }
0xd: {  	s12 =	simm.s32 $0x5080;
	[dreg:$0xc] =	wrdreg s11  }
0xe: {  	s13 =	simm.s32 $0x5880;
	[dreg:$0xd] =	wrdreg s12  }
0xf: {  	s14 =	simm.s32 $0x6080;
	[dreg:$0xe] =	wrdreg s13  }
0x10: {  	s15 =	simm.s32 $0x6880;
	[dreg:$0xf] =	wrdreg s14  }
0x11: {  	s16 =	simm.s32 $0x7080;
	[dreg:$0x10] =	wrdreg s15  }
0x12: {  	s17 =	simm.s32 $0x7880;
	s18 =	simm.s32 $0x8080;
	[dreg:$0x11] =	wrdreg s16  }
0x13: {  	s19 =	simm.s32 $0x8880;
	s20 =	simm.s32 $0x9080;
	[dreg:$0x12] =	wrdreg s17  }
0x14: {  	s21 =	simm.s32 $0x9880;
	s22 =	simm.s32 $0xA080;
	[dreg:$0x13] =	wrdreg s18  }
0x15: {  	s23 =	simm.s32 $0xA880;
	s24 =	simm.s32 $0xB880;
	[dreg:$0x14] =	wrdreg s19  }
0x16: {  	s28 =	simm.s32 $0x16080;
	s29 =	simm.s32 $0x16880;
	[dreg:$0x15] =	wrdreg s20  }
0x17: {  	s30 =	simm.s32 $0x17080;
	s31 =	simm.s32 $0x17880;
	[dreg:$0x16] =	wrdreg s21  }
0x18: {  	s4 =	smul.u32 $0x300, s3;
	s3 =	sadd.s32 s3, s5;
	[dreg:$0x17] =	wrdreg s22  }
0x19: {  	s1 =	ssub.s32 $0x2, s1;
	s3 =	sadd.s32 $0x129000, s3;
	[dreg:$0x18] =	wrdreg s23  }
0x1a: {  	s6 =	sshrl.u32 s1, $0x1;
	s7 =	simm.s32 $0xB080;
	[dreg:$0x1a] =	wrdreg s24  }
0x1b: {  	s8 =	simm.s32 $0x80;
	s26 =	simm.s32 $0xC880;
	s10 =	simm.s32 $0xD880  }
0x1c: {  	s11 =	simm.s32 $0xE080;
	s12 =	simm.s32 $0xE880;
	s13 =	simm.s32 $0xF080  }
0x1d: {  	s14 =	simm.s32 $0xF880;
	s15 =	simm.s32 $0x10080;
	s16 =	simm.s32 $0x10880  }
0x1e: {  	s17 =	simm.s32 $0x11080;
	s18 =	simm.s32 $0x11880;
	s19 =	simm.s32 $0x12080  }
0x1f: {  	s20 =	simm.s32 $0x12880;
	s21 =	simm.s32 $0x13080;
	s22 =	simm.s32 $0x13880  }
0x20: {  	s23 =	simm.s32 $0x14080;
	s24 =	simm.s32 $0x14880;
	[dreg:$0x2] =	wrdreg s3  }
0x21: {  	s4 =	sadd.s32 s4, s5;
	s3 =	sadd.s32 $0x129200, s5;
	[dreg:$0x19] =	wrdreg s7  }
0x22: {  	s1 =	ssub.s32 s1, s6;
	s7 =	simm.s32 $0x2;
	[dreg:$0x1c] =	wrdreg s26  }
0x23: {  	s26 =	simm.s32 $0x15880;
	s25 =	sadd.s32 $0x8E00, s4;
	s4 =	simm.s32 $0x1880  }
0x24: {  	v2 =	vlaneseq.u32;
	s6 =	smax.u32 s1, $0x1;
	s1 =	simm.s32 $0x1;
	[dreg:$0x3] =	wrdreg s25  }
0x25: {  	vm0 =	vmmov $0xffff;
	v1 =	vshrl.u32 v2, $0x3;
	[dreg:$0x6] =	wrdreg s4;
	s4 =	sadd.s32 $0x129300, s5;
	s25 =	simm.s32 $0xC080  }
0x26: {  	v0 =	vand.u32 $0x7, v2;
	v2 =	vor.u32 $0x8, v2;
	v1 =	vmul.u32 $0x8, v1;
	s5 =	sadd.s32 $0x129400, s5;
	[dreg:$0x1b] =	wrdreg s25;
	s25 =	simm.s32 $0x15080  }
.LBB2_1:
0x27: {  	s0 =	rddreg [dreg:$0x2]  }
0x28: {  	[tilespmem:s2], [sflag:$0x2] =	stream.linear.gather [hbm4b:s0+s2], $0x80, $0x38;
	[tilespmem:$0x18080] =	vst v63  }
0x29: {  	_ =	swait.ge [sflag:s7], $0x80  }
0x2a: {  	[sflag:s7] =	ssyncset.done $0x0  }
0x2b: {  	[sflag:s7] =	ssyncadd.s32 $0xFFFFFF80  }
0x2c: {  	v3 =	vld [tilespmem:$0x0];
	_ =	sdelay $0x4  }
0x2d: {  	v4 =	vshrl.u32 v3, $0x3  }
0x2e: {  	v4 =	vmul.u32 $0x30, v4  }
0x2f: {  	v3 =	vand.u32 $0x7, v3  }
0x30: {  	v3 =	vor.u32 v3, v4  }
0x31: {  	v4 =	vperm.xlane v3, v0;
	_ =	sdelay $0x1  }
0x32: {  	v4 =	vadd.s32 v1, v4;
	_ =	sdelay $0x3  }
0x33: {  	v3 =	vperm.xlane v3, v2  }
0x34: {  	[tilespmem:s8], [sflag:$0x1] =	stream.indirect_vreg.gather [hbm4b:s3+s2], $0x80, v4, vm0, $0xb8;
	[tilespmem:$0x18080] =	vst v63  }
0x35: {  	s0 =	rddreg [dreg:$0x4];
	v3 =	vadd.s32 v1, v3  }
0x36: {  	[tilespmem:s0], [sflag:$0x1] =	stream.indirect_vreg.gather [hbm4b:s4+s2], $0x80, v4, vm0, $0xb8;
	[tilespmem:$0x18080] =	vst v63  }
0x37: {  	s9 =	rddreg [dreg:$0x5]  }
0x38: {  	[tilespmem:s9], [sflag:$0x1] =	stream.indirect_vreg.gather [hbm4b:s5+s2], $0x80, v4, vm0, $0xb8;
	[tilespmem:$0x18080] =	vst v63  }
0x39: {  	s0 =	rddreg [dreg:$0x6]  }
0x3a: {  	[tilespmem:s0], [sflag:$0x1] =	stream.indirect_vreg.gather [hbm4b:s3+s2], $0x80, v3, vm0, $0xb8;
	[tilespmem:$0x18080] =	vst v63  }
0x3b: {  	s9 =	rddreg [dreg:$0x7]  }
0x3c: {  	[tilespmem:s9], [sflag:$0x1] =	stream.indirect_vreg.gather [hbm4b:s4+s2], $0x80, v3, vm0, $0xb8;
	[tilespmem:$0x18080] =	vst v63  }
0x3d: {  	s0 =	rddreg [dreg:$0x8]  }
0x3e: {  	[tilespmem:s0], [sflag:$0x1] =	stream.indirect_vreg.gather [hbm4b:s5+s2], $0x80, v3, vm0, $0xb8;
	[tilespmem:$0x18080] =	vst v63  }
0x3f: {  	v3 =	vld [tilespmem:$0x10];
	_ =	sdelay $0x4  }
0x40: {  	v57 =	vshrl.u32 v3, $0x3  }
0x41: {  	v4 =	vmul.u32 $0x30, v57  }
0x42: {  	v3 =	vand.u32 $0x7, v3  }
0x43: {  	v3 =	vor.u32 v3, v4  }
0x44: {  	v4 =	vperm.xlane v3, v0;
	_ =	sdelay $0x1  }
0x45: {  	v4 =	vadd.s32 v1, v4;
	_ =	sdelay $0x3  }
0x46: {  	s0 =	rddreg [dreg:$0x9];
	v3 =	vperm.xlane v3, v2  }
0x47: {  	[tilespmem:s0], [sflag:$0x1] =	stream.indirect_vreg.gather [hbm4b:s3+s2], $0x80, v4, vm0, $0xb8;
	[tilespmem:$0x18080] =	vst v63  }
0x48: {  	s9 =	rddreg [dreg:$0xa];
	v3 =	vadd.s32 v1, v3  }
0x49: {  	[tilespmem:s9], [sflag:$0x1] =	stream.indirect_vreg.gather [hbm4b:s4+s2], $0x80, v4, vm0, $0xb8;
	[tilespmem:$0x18080] =	vst v63  }
0x4a: {  	s0 =	rddreg [dreg:$0xb]  }
0x4b: {  	[tilespmem:s0], [sflag:$0x1] =	stream.indirect_vreg.gather [hbm4b:s5+s2], $0x80, v4, vm0, $0xb8;
	[tilespmem:$0x18080] =	vst v63  }
0x4c: {  	s9 =	rddreg [dreg:$0xc]  }
0x4d: {  	[tilespmem:s9], [sflag:$0x1] =	stream.indirect_vreg.gather [hbm4b:s3+s2], $0x80, v3, vm0, $0xb8;
	[tilespmem:$0x18080] =	vst v63  }
0x4e: {  	s0 =	rddreg [dreg:$0xd]  }
0x4f: {  	[tilespmem:s0], [sflag:$0x1] =	stream.indirect_vreg.gather [hbm4b:s4+s2], $0x80, v3, vm0, $0xb8;
	[tilespmem:$0x18080] =	vst v63  }
0x50: {  	s9 =	rddreg [dreg:$0xe]  }
0x51: {  	[tilespmem:s9], [sflag:$0x1] =	stream.indirect_vreg.gather [hbm4b:s5+s2], $0x80, v3, vm0, $0xb8;
	[tilespmem:$0x18080] =	vst v63  }
0x52: {  	v3 =	vld [tilespmem:$0x20];
	_ =	sdelay $0x4  }
0x53: {  	v58 =	vshrl.u32 v3, $0x3  }
0x54: {  	v4 =	vmul.u32 $0x30, v58  }
0x55: {  	v3 =	vand.u32 $0x7, v3  }
0x56: {  	v3 =	vor.u32 v3, v4  }
0x57: {  	v4 =	vperm.xlane v3, v0;
	_ =	sdelay $0x1  }
0x58: {  	v4 =	vadd.s32 v1, v4;
	_ =	sdelay $0x3  }
0x59: {  	s0 =	rddreg [dreg:$0xf];
	v3 =	vperm.xlane v3, v2  }
0x5a: {  	[tilespmem:s0], [sflag:$0x1] =	stream.indirect_vreg.gather [hbm4b:s3+s2], $0x80, v4, vm0, $0xb8;
	[tilespmem:$0x18080] =	vst v63  }
0x5b: {  	s9 =	rddreg [dreg:$0x10];
	v3 =	vadd.s32 v1, v3  }
0x5c: {  	[tilespmem:s9], [sflag:$0x1] =	stream.indirect_vreg.gather [hbm4b:s4+s2], $0x80, v4, vm0, $0xb8;
	[tilespmem:$0x18080] =	vst v63  }
0x5d: {  	s0 =	rddreg [dreg:$0x11]  }
0x5e: {  	[tilespmem:s0], [sflag:$0x1] =	stream.indirect_vreg.gather [hbm4b:s5+s2], $0x80, v4, vm0, $0xb8;
	[tilespmem:$0x18080] =	vst v63  }
0x5f: {  	s9 =	rddreg [dreg:$0x12]  }
0x60: {  	[tilespmem:s9], [sflag:$0x1] =	stream.indirect_vreg.gather [hbm4b:s3+s2], $0x80, v3, vm0, $0xb8;
	[tilespmem:$0x18080] =	vst v63  }
0x61: {  	s0 =	rddreg [dreg:$0x13]  }
0x62: {  	[tilespmem:s0], [sflag:$0x1] =	stream.indirect_vreg.gather [hbm4b:s4+s2], $0x80, v3, vm0, $0xb8;
	[tilespmem:$0x18080] =	vst v63  }
0x63: {  	s9 =	rddreg [dreg:$0x14]  }
0x64: {  	[tilespmem:s9], [sflag:$0x1] =	stream.indirect_vreg.gather [hbm4b:s5+s2], $0x80, v3, vm0, $0xb8;
	[tilespmem:$0x18080] =	vst v63  }
0x65: {  	v3 =	vld [tilespmem:$0x30];
	_ =	sdelay $0x4  }
0x66: {  	v59 =	vshrl.u32 v3, $0x3  }
0x67: {  	v4 =	vmul.u32 $0x30, v59  }
0x68: {  	v3 =	vand.u32 $0x7, v3  }
0x69: {  	v3 =	vor.u32 v3, v4  }
0x6a: {  	v4 =	vperm.xlane v3, v0;
	_ =	sdelay $0x1  }
0x6b: {  	v4 =	vadd.s32 v1, v4;
	_ =	sdelay $0x3  }
0x6c: {  	s0 =	rddreg [dreg:$0x15];
	v3 =	vperm.xlane v3, v2  }
0x6d: {  	[tilespmem:s0], [sflag:$0x1] =	stream.indirect_vreg.gather [hbm4b:s3+s2], $0x80, v4, vm0, $0xb8;
	[tilespmem:$0x18080] =	vst v63  }
0x6e: {  	s9 =	rddreg [dreg:$0x16];
	v3 =	vadd.s32 v1, v3  }
0x6f: {  	[tilespmem:s9], [sflag:$0x1] =	stream.indirect_vreg.gather [hbm4b:s4+s2], $0x80, v4, vm0, $0xb8;
	[tilespmem:$0x18080] =	vst v63  }
0x70: {  	s0 =	rddreg [dreg:$0x17]  }
0x71: {  	[tilespmem:s0], [sflag:$0x1] =	stream.indirect_vreg.gather [hbm4b:s5+s2], $0x80, v4, vm0, $0xb8;
	[tilespmem:$0x18080] =	vst v63  }
0x72: {  	s9 =	rddreg [dreg:$0x18]  }
0x73: {  	[tilespmem:s9], [sflag:$0x1] =	stream.indirect_vreg.gather [hbm4b:s3+s2], $0x80, v3, vm0, $0xb8;
	[tilespmem:$0x18080] =	vst v63  }
0x74: {  	s0 =	rddreg [dreg:$0x19]  }
0x75: {  	[tilespmem:s0], [sflag:$0x1] =	stream.indirect_vreg.gather [hbm4b:s4+s2], $0x80, v3, vm0, $0xb8;
	[tilespmem:$0x18080] =	vst v63  }
0x76: {  	s9 =	rddreg [dreg:$0x1a]  }
0x77: {  	[tilespmem:s9], [sflag:$0x1] =	stream.indirect_vreg.gather [hbm4b:s5+s2], $0x80, v3, vm0, $0xb8;
	[tilespmem:$0x18080] =	vst v63  }
0x78: {  	v3 =	vld [tilespmem:$0x40];
	_ =	sdelay $0x4  }
0x79: {  	v60 =	vshrl.u32 v3, $0x3  }
0x7a: {  	v4 =	vmul.u32 $0x30, v60  }
0x7b: {  	v3 =	vand.u32 $0x7, v3  }
0x7c: {  	v3 =	vor.u32 v3, v4  }
0x7d: {  	v4 =	vperm.xlane v3, v0;
	_ =	sdelay $0x1  }
0x7e: {  	v4 =	vadd.s32 v1, v4;
	_ =	sdelay $0x3  }
0x7f: {  	s0 =	rddreg [dreg:$0x1b];
	v3 =	vperm.xlane v3, v2  }
0x80: {  	[tilespmem:s0], [sflag:$0x1] =	stream.indirect_vreg.gather [hbm4b:s3+s2], $0x80, v4, vm0, $0xb8;
	[tilespmem:$0x18080] =	vst v63  }
0x81: {  	s9 =	rddreg [dreg:$0x1c];
	v3 =	vadd.s32 v1, v3  }
0x82: {  	[tilespmem:s9], [sflag:$0x1] =	stream.indirect_vreg.gather [hbm4b:s4+s2], $0x80, v4, vm0, $0xb8;
	[tilespmem:$0x18080] =	vst v63  }
0x83: {  	s9 =	simm.s32 $0xD080  }
0x84: {  	[tilespmem:s9], [sflag:$0x1] =	stream.indirect_vreg.gather [hbm4b:s5+s2], $0x80, v4, vm0, $0xb8;
	[tilespmem:$0x18080] =	vst v63  }
0x85: {  	_ = 	snop  }
0x86: {  	[tilespmem:s10], [sflag:$0x1] =	stream.indirect_vreg.gather [hbm4b:s3+s2], $0x80, v3, vm0, $0xb8;
	[tilespmem:$0x18080] =	vst v63  }
0x87: {  	_ = 	snop  }
0x88: {  	[tilespmem:s11], [sflag:$0x1] =	stream.indirect_vreg.gather [hbm4b:s4+s2], $0x80, v3, vm0, $0xb8;
	[tilespmem:$0x18080] =	vst v63  }
0x89: {  	_ = 	snop  }
0x8a: {  	[tilespmem:s12], [sflag:$0x1] =	stream.indirect_vreg.gather [hbm4b:s5+s2], $0x80, v3, vm0, $0xb8;
	[tilespmem:$0x18080] =	vst v63  }
0x8b: {  	v3 =	vld [tilespmem:$0x50];
	_ =	sdelay $0x4  }
0x8c: {  	v61 =	vshrl.u32 v3, $0x3  }
0x8d: {  	v4 =	vmul.u32 $0x30, v61  }
0x8e: {  	v3 =	vand.u32 $0x7, v3  }
0x8f: {  	v3 =	vor.u32 v3, v4  }
0x90: {  	v4 =	vperm.xlane v3, v0;
	_ =	sdelay $0x1  }
0x91: {  	v4 =	vadd.s32 v1, v4;
	_ =	sdelay $0x3  }
0x92: {  	v3 =	vperm.xlane v3, v2  }
0x93: {  	[tilespmem:s13], [sflag:$0x1] =	stream.indirect_vreg.gather [hbm4b:s3+s2], $0x80, v4, vm0, $0xb8;
	[tilespmem:$0x18080] =	vst v63  }
0x94: {  	v3 =	vadd.s32 v1, v3  }
0x95: {  	[tilespmem:s14], [sflag:$0x1] =	stream.indirect_vreg.gather [hbm4b:s4+s2], $0x80, v4, vm0, $0xb8;
	[tilespmem:$0x18080] =	vst v63  }
0x96: {  	_ = 	snop  }
0x97: {  	[tilespmem:s15], [sflag:$0x1] =	stream.indirect_vreg.gather [hbm4b:s5+s2], $0x80, v4, vm0, $0xb8;
	[tilespmem:$0x18080] =	vst v63  }
0x98: {  	_ = 	snop  }
0x99: {  	[tilespmem:s16], [sflag:$0x1] =	stream.indirect_vreg.gather [hbm4b:s3+s2], $0x80, v3, vm0, $0xb8;
	[tilespmem:$0x18080] =	vst v63  }
0x9a: {  	_ = 	snop  }
0x9b: {  	[tilespmem:s17], [sflag:$0x1] =	stream.indirect_vreg.gather [hbm4b:s4+s2], $0x80, v3, vm0, $0xb8;
	[tilespmem:$0x18080] =	vst v63  }
0x9c: {  	_ = 	snop  }
0x9d: {  	[tilespmem:s18], [sflag:$0x1] =	stream.indirect_vreg.gather [hbm4b:s5+s2], $0x80, v3, vm0, $0xb8;
	[tilespmem:$0x18080] =	vst v63  }
0x9e: {  	v3 =	vld [tilespmem:$0x60];
	_ =	sdelay $0x4  }
0x9f: {  	v62 =	vshrl.u32 v3, $0x3  }
0xa0: {  	v4 =	vmul.u32 $0x30, v62  }
0xa1: {  	v3 =	vand.u32 $0x7, v3  }
0xa2: {  	v3 =	vor.u32 v3, v4  }
0xa3: {  	v4 =	vperm.xlane v3, v0;
	_ =	sdelay $0x1  }
0xa4: {  	v4 =	vadd.s32 v1, v4;
	_ =	sdelay $0x3  }
0xa5: {  	v3 =	vperm.xlane v3, v2  }
0xa6: {  	[tilespmem:s19], [sflag:$0x1] =	stream.indirect_vreg.gather [hbm4b:s3+s2], $0x80, v4, vm0, $0xb8;
	[tilespmem:$0x18080] =	vst v63  }
0xa7: {  	v3 =	vadd.s32 v1, v3  }
0xa8: {  	[tilespmem:s20], [sflag:$0x1] =	stream.indirect_vreg.gather [hbm4b:s4+s2], $0x80, v4, vm0, $0xb8;
	[tilespmem:$0x18080] =	vst v63  }
0xa9: {  	_ = 	snop  }
0xaa: {  	[tilespmem:s21], [sflag:$0x1] =	stream.indirect_vreg.gather [hbm4b:s5+s2], $0x80, v4, vm0, $0xb8;
	[tilespmem:$0x18080] =	vst v63  }
0xab: {  	_ = 	snop  }
0xac: {  	[tilespmem:s22], [sflag:$0x1] =	stream.indirect_vreg.gather [hbm4b:s3+s2], $0x80, v3, vm0, $0xb8;
	[tilespmem:$0x18080] =	vst v63  }
0xad: {  	_ = 	snop  }
0xae: {  	[tilespmem:s23], [sflag:$0x1] =	stream.indirect_vreg.gather [hbm4b:s4+s2], $0x80, v3, vm0, $0xb8;
	[tilespmem:$0x18080] =	vst v63  }
0xaf: {  	_ = 	snop  }
0xb0: {  	[tilespmem:s24], [sflag:$0x1] =	stream.indirect_vreg.gather [hbm4b:s5+s2], $0x80, v3, vm0, $0xb8;
	[tilespmem:$0x18080] =	vst v63  }
0xb1: {  	v3 =	vld [tilespmem:$0x70];
	_ =	sdelay $0x4  }
0xb2: {  	v63 =	vshrl.u32 v3, $0x3  }
0xb3: {  	v4 =	vmul.u32 $0x30, v63  }
0xb4: {  	v3 =	vand.u32 $0x7, v3  }
0xb5: {  	v3 =	vor.u32 v3, v4  }
0xb6: {  	v4 =	vperm.xlane v3, v0;
	_ =	sdelay $0x1  }
0xb7: {  	v4 =	vadd.s32 v1, v4;
	_ =	sdelay $0x3  }
0xb8: {  	v3 =	vperm.xlane v3, v2  }
0xb9: {  	[tilespmem:s25], [sflag:$0x1] =	stream.indirect_vreg.gather [hbm4b:s3+s2], $0x80, v4, vm0, $0xb8;
	[tilespmem:$0x18080] =	vst v63  }
0xba: {  	v3 =	vadd.s32 v1, v3  }
0xbb: {  	[tilespmem:s26], [sflag:$0x1] =	stream.indirect_vreg.gather [hbm4b:s4+s2], $0x80, v4, vm0, $0xb8;
	[tilespmem:$0x18080] =	vst v63  }
0xbc: {  	_ = 	snop  }
0xbd: {  	[tilespmem:s28], [sflag:$0x1] =	stream.indirect_vreg.gather [hbm4b:s5+s2], $0x80, v4, vm0, $0xb8;
	[tilespmem:$0x18080] =	vst v63  }
0xbe: {  	_ = 	snop  }
0xbf: {  	[tilespmem:s29], [sflag:$0x1] =	stream.indirect_vreg.gather [hbm4b:s3+s2], $0x80, v3, vm0, $0xb8;
	[tilespmem:$0x18080] =	vst v63  }
0xc0: {  	_ = 	snop  }
0xc1: {  	[tilespmem:s30], [sflag:$0x1] =	stream.indirect_vreg.gather [hbm4b:s4+s2], $0x80, v3, vm0, $0xb8;
	[tilespmem:$0x18080] =	vst v63  }
0xc2: {  	_ = 	snop  }
0xc3: {  	[tilespmem:s31], [sflag:$0x1] =	stream.indirect_vreg.gather [hbm4b:s5+s2], $0x80, v3, vm0, $0xb8;
	[tilespmem:$0x18080] =	vst v63  }
0xc4: {  	_ =	swait.ge [sflag:s1], $0x18000  }
0xc5: {  	p0 =	sne.s32 s6, $0x1;
	[sflag:s1] =	ssyncset.done $0x0  }
.Ltmp0:
0xc6: {  	s9 =	rddreg [dreg:$0x3];
	[sflag:s1] =	ssyncadd.s32 $0xFFFE8000;
	(pc) =	sbr.rel @p0 .LBB2_1-.Ltmp0, $4  }
0xc7: {  	[hbm4b:s9+s2] =	stream.linear.scatter [tilespmem:s8], [sflag:$0x2], $0x18000, $0x38;
	[tilespmem:$0x18080] =	vst v63  }
0xc8: {  	_ =	swait.ge [sflag:s7], $0x18000  }
0xc9: {  	[sflag:s7] =	ssyncset.done $0x0  }
0xca: {  	s6 =	sadd.s32 $0xFFFFFFFF, s6;
	[sflag:s7] =	ssyncadd.s32 $0xFFFE8000  }
0xcb: {  	_ =	sfence.sel $0x180000  }
0xcc: {  	[bflag:$0x0] =	sbarrier.arrive $0xFFFF  }
0xcd: {  	_ =	strace $0x9000004A  }
0xce: {  	s0 =	stileid.u32;
	[bflag:$0x2] =	sbarrier.arrive $0xFFFF  }
0xcf: {  	p0 =	sne.s32 s0, $0x0;
	s0 =	rddreg [dreg:$0x1]  }
0xd0: {  	s0 =	sadd.s32 @!p0 $0x100000, s0  }
0xd1: {  	[sflag:s0] =	ssyncadd.tile.s32 @!p0 $0x1;
	_ =	shalt  }
.Lfunc_end2:
_tile_overlayer_lowered:
.L_overlay_start_2:
0xd2: {  	(tag) =	ssettag $0x2  }
0xd3: {  	s0 =	rddreg [dreg:$0x0];
	s2 =	stileid.u32  }
0xd4: {  	s1 =	rddreg [dreg:$0x1];
	p0 =	sne.s32 s2, $0x0  }
0xd5: {  	s3 =	rddreg [dreg:$0x2];
	[bflag:$0x3] =	sbarrier.arrive $0xFFFF;
	s2 =	simm.s32 @!p0 $0x1C02  }
0xd6: {  	[timem:s3], [sflag:s2] =	dma.local @!p0 [hbm:s0], s1  }
0xd7: {  	s0 =	simm.s32 @!p0 $0x2  }
0xd8: {  	_ =	swait.ge @!p0 [sflag:s0], s1  }
0xd9: {  	s1 =	ssub.s32 @!p0 $0x0, s1;
	[sflag:s0] =	ssyncset.done @!p0 $0x0  }
0xda: {  	[sflag:s0] =	ssyncadd.s32 @!p0 s1  }
0xdb: {  	[bflag:$0x3] =	sbarrier.arrive $0xFFFF  }
0xdc: {  	_ =	shalt  }

// kernel: kernel.7.cloned.1.call-start
scs
__scs_entry_jumppad:
0x0: {  	(pc) =	sbr.rel $0x88, $3  }
0x1: {  	(tag) =	ssettag $0x0;
	lr =	simm.s32 $0x1  }
0x2: {  	[smem:$0x3F99] =	sst lr;
	_ =	strace $0xD0000000  }
0x3: {  	_ = 	snop  }
0x4: {  	_ = 	snop  }
0x5: {  	_ = 	snop  }
0x6: {  	_ = 	snop  }
0x7: {  	_ = 	snop  }
__scs_overlays_trampoline_lowered:
0x8: {  	[smem:$0x3FA8] =	sst s0  }
0x9: {  	[smem:$0x3FA9] =	sst s1  }
0xa: {  	[smem:$0x3FAA] =	sst s2  }
0xb: {  	[smem:$0x3FAB] =	sst s3  }
0xc: {  	[smem:$0x3FAC] =	sst s4  }
0xd: {  	[smem:$0x3FAD] =	sst s5  }
0xe: {  	[smem:$0x3FAE] =	sst s6  }
0xf: {  	[smem:$0x3FAF] =	sst s7  }
0x10: {  	[smem:$0x3FB0] =	sst s8  }
0x11: {  	[smem:$0x3FB1] =	sst s9;
	s0 =	simm.s32 @!p0 $0x0  }
0x12: {  	s1 =	sld [smem:$0x3F97];
	s0 =	simm.s32 @p0 $0x1  }
0x13: {  	[smem:$0x3FB2] =	sst s0;
	s0 =	simm.s32 @!p1 $0x0  }
0x14: {  	s2 =	sld [smem:$0x3F96];
	s0 =	simm.s32 @p1 $0x1  }
0x15: {  	[smem:$0x3FB3] =	sst s0;
	s0 =	simm.s32 @!p2 $0x0  }
0x16: {  	s3 =	sld [smem:$0x3FDB];
	s0 =	simm.s32 @p2 $0x1  }
0x17: {  	s4 =	simm.s32 $0x1BF5;
	[smem:$0x3FB5] =	sst s0  }
0x18: {  	s0 =	sld [smem:$0x3F98];
	_ =	swait.ge [sflag:s4], $0x0  }
0x19: {  	s7 =	sld [smem:$0x3F99]  }
0x1a: {  	s8 =	sadd.s32 $0xFFFFE003, lr  }
0x1b: {  	s9 =	sadd.s32 $0xFFFFFEF7, lr;
	s5 =	simm.s32 $0xFFFFFFFF;
	p2 =	slt.u32 s8, $0xFFFFF086  }
0x1c: {  	p1 =	slt.u32 s9, $0xF7A;
	s5 =	simm.s32 @!p2 $0x0  }
0x1d: {  	s5 =	simm.s32 @p1 $0x1;
	p0 =	seq.s32 s7, s2  }
0x1e: {  	s7 =	smul.u32 @!p0 $0xF7A, s2;
	p2 =	seq.s32 @!p0 s5, $0x0  }
0x1f: {  	s9 =	smul.u32 $0xF7A, s1;
	s8 =	simm.s32 @!p0 $0x1BF5;
	p2 =	por !p2, p0  }
0x20: {  	[sflag:s8] =	ssyncset.s32 @!p0 $0xFFFFF086;
	s6 =	sadd.s32 @!p0 s3, s7;
	s7 =	simm.s32 @!p0 $0x108  }
0x21: {  	s3 =	sadd.s32 s3, s9;
	s6 =	sadd.s32 @!p0 $0x88, s6;
	s7 =	simm.s32 @p2 $0x1082  }
0x22: {  	[simem:s7], [sflag:s8] =	dma.local @!p0 [hbm:s6], $0xF7A  }
0x23: {  	s9 =	sor.u32 $0xD0000000, s2;
	s6 =	simm.s32 $0x108;
	_ =	swait.ge @!p0 [sflag:s8], $0x0  }
0x24: {  	s3 =	sadd.s32 $0x88, s3;
	s6 =	simm.s32 @!p1 $0x1082;
	[sflag:s4] =	ssyncset.s32 $0xFFFFF086  }
0x25: {  	[simem:s6], [sflag:s4] =	dma.local [hbm:s3], $0xF7A  }
0x26: {  	[smem:$0x3F99] =	sst s1;
	(tag) =	ssettag s2;
	_ =	strace s9  }
0x27: {  	s1 =	sld [smem:$0x3FA9]  }
0x28: {  	s2 =	sld [smem:$0x3FAA]  }
0x29: {  	s4 =	sld [smem:$0x3FAC]  }
0x2a: {  	p0 =	seq.s32 s5, $0x0;
	s5 =	sld [smem:$0x3FAD]  }
0x2b: {  	s6 =	sld [smem:$0x3FAE]  }
0x2c: {  	s7 =	sld [smem:$0x3FAF]  }
0x2d: {  	s3 =	simm.s32 $0x108;
	s8 =	sld [smem:$0x3FB0]  }
0x2e: {  	s3 =	simm.s32 @!p0 $0x1082;
	s9 =	sld [smem:$0x3FB1]  }
0x2f: {  	lr =	sadd.s32 s0, s3;
	s0 =	sld [smem:$0x3FA8]  }
0x30: {  	s3 =	sld [smem:$0x3FAB]  }
0x31: {  	[smem:$0x3FB4] =	sst s10  }
0x32: {  	s10 =	sld [smem:$0x3FB2];
	_ =	sdelay $0x3  }
0x33: {  	p0 =	seq.s32 s10, $0x1;
	s10 =	sld [smem:$0x3FB4];
	_ =	sdelay $0x3  }
0x34: {  	[smem:$0x3FB4] =	sst s10  }
0x35: {  	s10 =	sld [smem:$0x3FB3];
	_ =	sdelay $0x3  }
0x36: {  	p1 =	seq.s32 s10, $0x1;
	s10 =	sld [smem:$0x3FB4];
	_ =	sdelay $0x3  }
0x37: {  	[smem:$0x3FB4] =	sst s10  }
0x38: {  	s10 =	sld [smem:$0x3FB5]  }
0x39: {  	_ = 	snop;
	(pc) =	sbr.ind lr, $3  }
0x3a: {  	_ = 	snop  }
0x3b: {  	_ = 	snop  }
0x3c: {  	p2 =	seq.s32 s10, $0x1;
	s10 =	sld [smem:$0x3FB4]  }
0x3d: {  	_ =	shalt  }
0x3e: {  	_ =	shalt  }
0x3f: {  	_ =	shalt  }
0x40: {  	_ =	shalt  }
0x41: {  	_ =	shalt  }
0x42: {  	_ =	shalt  }
0x43: {  	_ =	shalt  }
0x44: {  	_ =	shalt  }
0x45: {  	_ =	shalt  }
0x46: {  	_ =	shalt  }
0x47: {  	_ =	shalt  }
0x48: {  	_ =	shalt  }
0x49: {  	_ =	shalt  }
0x4a: {  	_ =	shalt  }
0x4b: {  	_ =	shalt  }
0x4c: {  	_ =	shalt  }
0x4d: {  	_ =	shalt  }
0x4e: {  	_ =	shalt  }
0x4f: {  	_ =	shalt  }
0x50: {  	_ =	shalt  }
0x51: {  	_ =	shalt  }
0x52: {  	_ =	shalt  }
0x53: {  	_ =	shalt  }
0x54: {  	_ =	shalt  }
0x55: {  	_ =	shalt  }
0x56: {  	_ =	shalt  }
0x57: {  	_ =	shalt  }
0x58: {  	_ =	shalt  }
0x59: {  	_ =	shalt  }
0x5a: {  	_ =	shalt  }
0x5b: {  	_ =	shalt  }
0x5c: {  	_ =	shalt  }
0x5d: {  	_ =	shalt  }
0x5e: {  	_ =	shalt  }
0x5f: {  	_ =	shalt  }
0x60: {  	_ =	shalt  }
0x61: {  	_ =	shalt  }
0x62: {  	_ =	shalt  }
0x63: {  	_ =	shalt  }
0x64: {  	_ =	shalt  }
0x65: {  	_ =	shalt  }
0x66: {  	_ =	shalt  }
0x67: {  	_ =	shalt  }
0x68: {  	_ =	shalt  }
0x69: {  	_ =	shalt  }
0x6a: {  	_ =	shalt  }
0x6b: {  	_ =	shalt  }
0x6c: {  	_ =	shalt  }
0x6d: {  	_ =	shalt  }
0x6e: {  	_ =	shalt  }
0x6f: {  	_ =	shalt  }
0x70: {  	_ =	shalt  }
0x71: {  	_ =	shalt  }
0x72: {  	_ =	shalt  }
0x73: {  	_ =	shalt  }
0x74: {  	_ =	shalt  }
0x75: {  	_ =	shalt  }
0x76: {  	_ =	shalt  }
0x77: {  	_ =	shalt  }
0x78: {  	_ =	shalt  }
0x79: {  	_ =	shalt  }
0x7a: {  	_ =	shalt  }
0x7b: {  	_ =	shalt  }
0x7c: {  	_ =	shalt  }
0x7d: {  	_ =	shalt  }
0x7e: {  	_ =	shalt  }
0x7f: {  	_ =	shalt  }
0x80: {  	_ =	shalt  }
0x81: {  	_ =	shalt  }
0x82: {  	_ =	shalt  }
0x83: {  	_ =	shalt  }
0x84: {  	_ =	shalt  }
0x85: {  	_ =	shalt  }
0x86: {  	_ =	shalt  }
0x87: {  	_ =	shalt  }
.Lfunc_end0:
.L_simem_size_0:
called_computation_lowered:
.L_overlay_start_0:
0x88: {  	s2 =	sld [smem:$0x3FD9]  }
0x89: {  	s3 =	sld [smem:$0x3FFE];
	_ =	sdelay $0x1  }
0x8a: {  	s1 =	srdreg.scid  }
0x8b: {  	s0 =	sand.u32 $0x1, s1  }
0x8c: {  	s14 =	sshll.u32 s0, $0xA;
	s2 =	sadd.s32 s3, s2  }
0x8d: {  	s2 =	sadd.s32 s2, s14  }
0x8e: {  	[smem:$0x3FC0] =	sst s2  }
0x8f: {  	_ = 	snop  }
0x90: {  	s2 =	sld [smem:$0x3FD0];
	_ =	sdelay $0x2  }
0x91: {  	s4 =	simm.s32 $0xA;
	s5 =	simm.s32 $0x10;
	s15 =	sld [smem:$0x3FC9]  }
0x92: {  	[smem:s5], [sflag:s4] =	dma.local [hbm:s2], $0x1  }
0x93: {  	_ =	swait.eq [sflag:s4], $0x1  }
0x94: {  	[sflag:s4] =	ssyncset.done $0x0  }
0x95: {  	[sflag:s4] =	ssyncadd.s32 $0xFFFFFFFF  }
0x96: {  	s16 =	sld [smem:$0x11];
	(tm) =	ssettm $0x1  }
0x97: {  	s17 =	sld [smem:$0x3FFB];
	_ =	sdelay $0x3  }
0x98: {  	_ =	strace s17  }
0x99: {  	s4 =	sld [smem:$0x3FFC];
	_ =	sdelay $0x3  }
0x9a: {  	_ =	strace s4  }
0x9b: {  	s4 =	sld [smem:$0x3FFD];
	_ =	sdelay $0x3  }
0x9c: {  	_ =	strace s4  }
0x9d: {  	_ =	strace $0x8FFFFFFF  }
0x9e: {  	s18 =	sld [smem:$0x3FDB];
	_ =	sdelay $0x1  }
0x9f: {  	s19 =	simm.s32 $_scs_section_size  }
0xa0: {  	s6 =	simm.s32 $_size__tile_overlayer_lowered;
	s7 =	simm.s32 $_tile_overlayer_lowered  }
0xa1: {  	s22 =	simm.s32 $0x1BFF;
	s21 =	sshll.u32 s7, $0x1;
	s4 =	sadd.s32 s19, s18  }
0xa2: {  	s8 =	simm.s32 $0x0;
	s20 =	sshll.u32 s6, $0x1;
	s6 =	sadd.s32 s21, s4  }
0xa3: {  	[timem:s8], [sflag:s22] =	dma.local [hbm:s6], s20  }
0xa4: {  	_ =	swait.ge [sflag:s22], s20  }
0xa5: {  	s5 =	ssub.s32 $0x0, s20;
	[sflag:s22] =	ssyncset.done $0x0  }
0xa6: {  	[sflag:s22] =	ssyncadd.s32 s5;
	_ =	sdelay $0x1  }
0xa7: {  	s23 =	simm.s32 $0x1B8B  }
0xa8: {  	_ =	swait.ge [sflag:s23], $0x1  }
0xa9: {  	[sflag:s23] =	ssyncset.done $0x0  }
0xaa: {  	s25 =	simm.s32 $0x1B8E;
	s24 =	sld [smem:$0x3FFE];
	[sflag:s23] =	ssyncadd.s32 $0xFFFFFFFF  }
0xab: {  	s26 =	simm.s32 $execute0_lowered;
	[smem:$0x3FD2] =	sst s25  }
0xac: {  	s6 =	sshll.u32 s26, $0x1;
	_ =	strace $0x80000046;
	[dreg:$0x1] =	wrdreg $0xFFFFFFFF  }
0xad: {  	s28 =	simm.s32 $_size_execute0_lowered;
	s4 =	sadd.s32 s4, s6;
	[dreg:$0x0] =	wrdreg $0x0  }
0xae: {  	s6 =	sshll.u32 s28, $0x1;
	[dreg:$0x2] =	wrdreg s4  }
0xaf: {  	[dreg:$0x3] =	wrdreg s6  }
0xb0: {  	[dreg:$0x4] =	wrdreg $0xC0  }
0xb1: {  	_ =	task [dreg:s8], $0x5FFFF  }
0xb2: {  	[dreg:$0x1] =	wrdreg $0xFFFFFFFF  }
0xb3: {  	[dreg:$0x0] =	wrdreg $0x60  }
0xb4: {  	[dreg:$0x2] =	wrdreg s15  }
0xb5: {  	[dreg:$0x3] =	wrdreg s24  }
0xb6: {  	[dreg:$0x4] =	wrdreg s16  }
0xb7: {  	[dreg:$0x5] =	wrdreg $0x9  }
0xb8: {  	_ =	task.clear_ibuf [dreg:s8], $0x6FFFF;
	_ =	strace $0x90000046  }
0xb9: {  	s29 =	simm.s32 $0x9;
	_ =	strace $0x80000048  }
0xba: {  	_ =	swait.ge [sflag:s29], $0x1  }
0xbb: {  	[sflag:s29] =	ssyncadd.s32 $0xFFFFFFFF  }
0xbc: {  	_ =	strace $0x90000048  }
0xbd: {  	_ =	sfence  }
0xbe: {  	s30 =	sld [smem:$0x0];
	_ =	sdelay $0x2  }
0xbf: {  	s31 =	sshll.u32 s1, $0xD;
	s1 =	sshrl.u32 s1, $0x2  }
0xc0: {  	s3 =	sand.u32 $0x4000, s31;
	s1 =	sadd.s32 s1, s30  }
0xc1: {  	s0 =	sor.u32 s3, s0;
	s1 =	sshll.u32 s1, $0x11  }
0xc2: {  	s0 =	sor.u32 s1, s0  }
0xc3: {  	s0 =	sadd.s32 $0x8F2B, s0  }
0xc4: {  	[sflag:s0] =	ssyncadd.remote.s32 $0x1  }
0xc5: {  	_ =	sfence.sel $0xFFFF  }
0xc6: {  	[dreg:$0x0] =	wrdreg $0xFFFFFFFF;
	(pc) =	sbr.abs _section_cstart, $3  }
0xc7: {  	[dreg:$0x1] =	wrdreg $0xFFFFFFFF  }
0xc8: {  	_ =	task.clear_ibuf [dreg:s8], $0x2FFFF;
	_ =	strace $0x9FFFFFFF  }
0xc9: {  	(tm) =	ssettm $0x7FFFFFFF  }
tec
execute0_lowered:
.L_overlay_start_1:
0x0: {  	(tag) =	ssettag $0x1  }
0x1: {  	s1 =	rddreg [dreg:$0x0];
	s2 =	srdreg.scid  }
0x2: {  	s5 =	rddreg [dreg:$0x1];
	s0 =	stileid.u32  }
0x3: {  	s6 =	rddreg [dreg:$0x2];
	s25 =	simm.s32 $0xC000;
	s26 =	simm.s32 $0xC080  }
0x4: {  	s10 =	simm.s32 $0x1800;
	s11 =	simm.s32 $0x2000;
	s12 =	simm.s32 $0x2800  }
0x5: {  	s13 =	simm.s32 $0x3000;
	s14 =	simm.s32 $0x3800;
	s15 =	simm.s32 $0x4000  }
0x6: {  	s16 =	simm.s32 $0x4800;
	s17 =	simm.s32 $0x5000;
	s18 =	simm.s32 $0x5800  }
0x7: {  	s19 =	simm.s32 $0x6000;
	s20 =	simm.s32 $0x6800;
	s21 =	simm.s32 $0x7000  }
0x8: {  	s28 =	simm.s32 $0xA000;
	s29 =	simm.s32 $0xA800;
	s30 =	simm.s32 $0xB000  }
0x9: {  	s31 =	simm.s32 $0xB800;
	s4 =	sand.u32 $0x1, s2;
	s2 =	simm.s32 $0x0  }
0xa: {  	s3 =	sshll.u32 s0, $0x4;
	s7 =	sshll.u32 s4, $0x3;
	[smem:$0x7FF] =	sst s2  }
0xb: {  	s4 =	ssub.s32 $0x2, s4;
	s7 =	sor.u32 s7, s3;
	_ =	strace $0x80000047  }
0xc: {  	s3 =	sadd.s32 $0x9000, s5;
	s22 =	sshrl.u32 s4, $0x1;
	[dreg:$0x7] =	wrdreg s25  }
0xd: {  	[dreg:$0x8] =	wrdreg s26;
	s25 =	simm.s32 $0x9000;
	s26 =	simm.s32 $0x9800  }
0xe: {  	s8 =	smul.u32 $0x300, s7;
	s9 =	sadd.s32 s7, s5;
	s24 =	sadd.s32 s6, s7  }
0xf: {  	s7 =	simm.s32 $0x2;
	s23 =	sadd.s32 $0x8E00, s9;
	[dreg:$0x6] =	wrdreg s24  }
0x10: {  	s9 =	simm.s32 $0x1000;
	s24 =	simm.s32 $0x8800;
	s1 =	sadd.s32 s1, s8  }
0x11: {  	v2 =	vlaneseq.u32;
	s8 =	ssub.s32 s4, s22;
	[dreg:$0x5] =	wrdreg s23;
	s4 =	sadd.s32 $0x9100, s5  }
0x12: {  	vm0 =	vmmov $0xffff;
	v1 =	vshrl.u32 v2, $0x3;
	s5 =	sadd.s32 $0x9200, s5;
	s22 =	simm.s32 $0x7800;
	s23 =	simm.s32 $0x8000  }
0x13: {  	v0 =	vand.u32 $0x7, v2;
	v2 =	vor.u32 $0x8, v2;
	v1 =	vmul.u32 $0x8, v1;
	[dreg:$0x4] =	wrdreg s1;
	s6 =	smax.u32 s8, $0x1;
	s1 =	simm.s32 $0x1  }
.LBB2_1:
0x14: {  	s0 =	rddreg [dreg:$0x4]  }
0x15: {  	[tilespmem:s2], [sflag:$0x2] =	stream.linear.gather [hbm4b:s0+s2], $0xC000, $0x38;
	[tilespmem:$0xC100] =	vst v63  }
0x16: {  	_ =	swait.ge [sflag:s7], $0xC000  }
0x17: {  	s0 =	rddreg [dreg:$0x5];
	[sflag:s7] =	ssyncset.done $0x0  }
0x18: {  	s8 =	rddreg [dreg:$0x7];
	[sflag:s7] =	ssyncadd.s32 $0xFFFF4000  }
0x19: {  	[tilespmem:s8], [sflag:$0x2] =	stream.linear.gather [hbm4b:s0+s2], $0x40, $0x38;
	[tilespmem:$0xC100] =	vst v63  }
0x1a: {  	_ =	swait.ge [sflag:s7], $0x40  }
0x1b: {  	s0 =	rddreg [dreg:$0x6];
	[sflag:s7] =	ssyncset.done $0x0  }
0x1c: {  	s8 =	rddreg [dreg:$0x8];
	[sflag:s7] =	ssyncadd.s32 $0xFFFFFFC0  }
0x1d: {  	[tilespmem:s8], [sflag:$0x2] =	stream.linear.gather [hbm4b:s0+s2], $0x40, $0x38;
	[tilespmem:$0xC100] =	vst v63  }
0x1e: {  	_ =	swait.ge [sflag:s7], $0x40  }
0x1f: {  	[sflag:s7] =	ssyncset.done $0x0  }
0x20: {  	[sflag:s7] =	ssyncadd.s32 $0xFFFFFFC0  }
0x21: {  	v3 =	vld [tilespmem:$0xC000];
	_ =	sdelay $0x4  }
0x22: {  	v4 =	vshrl.u32 v3, $0x3  }
0x23: {  	v4 =	vmul.u32 $0x30, v4  }
0x24: {  	v3 =	vand.u32 $0x7, v3  }
0x25: {  	v3 =	vor.u32 v3, v4  }
0x26: {  	v4 =	vperm.xlane v3, v0;
	_ =	sdelay $0x1  }
0x27: {  	v4 =	vadd.s32 v1, v4;
	_ =	sdelay $0x3  }
0x28: {  	v3 =	vperm.xlane v3, v2  }
0x29: {  	[hbm4b:s3+s2] =	stream.indirect_vreg.scatter [tilespmem:s2], [sflag:$0x1], $0x80, v4, vm0, $0xb8;
	[tilespmem:$0xC100] =	vst v63  }
0x2a: {  	s8 =	simm.s32 $0x800;
	v3 =	vadd.s32 v1, v3  }
0x2b: {  	[hbm4b:s4+s2] =	stream.indirect_vreg.scatter [tilespmem:s8], [sflag:$0x1], $0x80, v4, vm0, $0xb8;
	[tilespmem:$0xC100] =	vst v63  }
0x2c: {  	_ = 	snop  }
0x2d: {  	[hbm4b:s5+s2] =	stream.indirect_vreg.scatter [tilespmem:s9], [sflag:$0x1], $0x80, v4, vm0, $0xb8;
	[tilespmem:$0xC100] =	vst v63  }
0x2e: {  	_ = 	snop  }
0x2f: {  	[hbm4b:s3+s2] =	stream.indirect_vreg.scatter [tilespmem:s10], [sflag:$0x1], $0x80, v3, vm0, $0xb8;
	[tilespmem:$0xC100] =	vst v63  }
0x30: {  	_ = 	snop  }
0x31: {  	[hbm4b:s4+s2] =	stream.indirect_vreg.scatter [tilespmem:s11], [sflag:$0x1], $0x80, v3, vm0, $0xb8;
	[tilespmem:$0xC100] =	vst v63  }
0x32: {  	_ = 	snop  }
0x33: {  	[hbm4b:s5+s2] =	stream.indirect_vreg.scatter [tilespmem:s12], [sflag:$0x1], $0x80, v3, vm0, $0xb8;
	[tilespmem:$0xC100] =	vst v63  }
0x34: {  	v3 =	vld [tilespmem:$0xC010];
	_ =	sdelay $0x4  }
0x35: {  	v57 =	vshrl.u32 v3, $0x3  }
0x36: {  	v4 =	vmul.u32 $0x30, v57  }
0x37: {  	v3 =	vand.u32 $0x7, v3  }
0x38: {  	v3 =	vor.u32 v3, v4  }
0x39: {  	v4 =	vperm.xlane v3, v0;
	_ =	sdelay $0x1  }
0x3a: {  	v4 =	vadd.s32 v1, v4;
	_ =	sdelay $0x3  }
0x3b: {  	v3 =	vperm.xlane v3, v2  }
0x3c: {  	[hbm4b:s3+s2] =	stream.indirect_vreg.scatter [tilespmem:s13], [sflag:$0x1], $0x80, v4, vm0, $0xb8;
	[tilespmem:$0xC100] =	vst v63  }
0x3d: {  	v3 =	vadd.s32 v1, v3  }
0x3e: {  	[hbm4b:s4+s2] =	stream.indirect_vreg.scatter [tilespmem:s14], [sflag:$0x1], $0x80, v4, vm0, $0xb8;
	[tilespmem:$0xC100] =	vst v63  }
0x3f: {  	_ = 	snop  }
0x40: {  	[hbm4b:s5+s2] =	stream.indirect_vreg.scatter [tilespmem:s15], [sflag:$0x1], $0x80, v4, vm0, $0xb8;
	[tilespmem:$0xC100] =	vst v63  }
0x41: {  	_ = 	snop  }
0x42: {  	[hbm4b:s3+s2] =	stream.indirect_vreg.scatter [tilespmem:s16], [sflag:$0x1], $0x80, v3, vm0, $0xb8;
	[tilespmem:$0xC100] =	vst v63  }
0x43: {  	_ = 	snop  }
0x44: {  	[hbm4b:s4+s2] =	stream.indirect_vreg.scatter [tilespmem:s17], [sflag:$0x1], $0x80, v3, vm0, $0xb8;
	[tilespmem:$0xC100] =	vst v63  }
0x45: {  	_ = 	snop  }
0x46: {  	[hbm4b:s5+s2] =	stream.indirect_vreg.scatter [tilespmem:s18], [sflag:$0x1], $0x80, v3, vm0, $0xb8;
	[tilespmem:$0xC100] =	vst v63  }
0x47: {  	v3 =	vld [tilespmem:$0xC020];
	_ =	sdelay $0x4  }
0x48: {  	v58 =	vshrl.u32 v3, $0x3  }
0x49: {  	v4 =	vmul.u32 $0x30, v58  }
0x4a: {  	v3 =	vand.u32 $0x7, v3  }
0x4b: {  	v3 =	vor.u32 v3, v4  }
0x4c: {  	v4 =	vperm.xlane v3, v0;
	_ =	sdelay $0x1  }
0x4d: {  	v4 =	vadd.s32 v1, v4;
	_ =	sdelay $0x3  }
0x4e: {  	v3 =	vperm.xlane v3, v2  }
0x4f: {  	[hbm4b:s3+s2] =	stream.indirect_vreg.scatter [tilespmem:s19], [sflag:$0x1], $0x80, v4, vm0, $0xb8;
	[tilespmem:$0xC100] =	vst v63  }
0x50: {  	v3 =	vadd.s32 v1, v3  }
0x51: {  	[hbm4b:s4+s2] =	stream.indirect_vreg.scatter [tilespmem:s20], [sflag:$0x1], $0x80, v4, vm0, $0xb8;
	[tilespmem:$0xC100] =	vst v63  }
0x52: {  	_ = 	snop  }
0x53: {  	[hbm4b:s5+s2] =	stream.indirect_vreg.scatter [tilespmem:s21], [sflag:$0x1], $0x80, v4, vm0, $0xb8;
	[tilespmem:$0xC100] =	vst v63  }
0x54: {  	_ = 	snop  }
0x55: {  	[hbm4b:s3+s2] =	stream.indirect_vreg.scatter [tilespmem:s22], [sflag:$0x1], $0x80, v3, vm0, $0xb8;
	[tilespmem:$0xC100] =	vst v63  }
0x56: {  	_ = 	snop  }
0x57: {  	[hbm4b:s4+s2] =	stream.indirect_vreg.scatter [tilespmem:s23], [sflag:$0x1], $0x80, v3, vm0, $0xb8;
	[tilespmem:$0xC100] =	vst v63  }
0x58: {  	_ = 	snop  }
0x59: {  	[hbm4b:s5+s2] =	stream.indirect_vreg.scatter [tilespmem:s24], [sflag:$0x1], $0x80, v3, vm0, $0xb8;
	[tilespmem:$0xC100] =	vst v63  }
0x5a: {  	v3 =	vld [tilespmem:$0xC030];
	_ =	sdelay $0x4  }
0x5b: {  	v59 =	vshrl.u32 v3, $0x3  }
0x5c: {  	v4 =	vmul.u32 $0x30, v59  }
0x5d: {  	v3 =	vand.u32 $0x7, v3  }
0x5e: {  	v3 =	vor.u32 v3, v4  }
0x5f: {  	v4 =	vperm.xlane v3, v0;
	_ =	sdelay $0x1  }
0x60: {  	v4 =	vadd.s32 v1, v4;
	_ =	sdelay $0x3  }
0x61: {  	v3 =	vperm.xlane v3, v2  }
0x62: {  	[hbm4b:s3+s2] =	stream.indirect_vreg.scatter [tilespmem:s25], [sflag:$0x1], $0x80, v4, vm0, $0xb8;
	[tilespmem:$0xC100] =	vst v63  }
0x63: {  	v3 =	vadd.s32 v1, v3  }
0x64: {  	[hbm4b:s4+s2] =	stream.indirect_vreg.scatter [tilespmem:s26], [sflag:$0x1], $0x80, v4, vm0, $0xb8;
	[tilespmem:$0xC100] =	vst v63  }
0x65: {  	_ = 	snop  }
0x66: {  	[hbm4b:s5+s2] =	stream.indirect_vreg.scatter [tilespmem:s28], [sflag:$0x1], $0x80, v4, vm0, $0xb8;
	[tilespmem:$0xC100] =	vst v63  }
0x67: {  	_ = 	snop  }
0x68: {  	[hbm4b:s3+s2] =	stream.indirect_vreg.scatter [tilespmem:s29], [sflag:$0x1], $0x80, v3, vm0, $0xb8;
	[tilespmem:$0xC100] =	vst v63  }
0x69: {  	_ = 	snop  }
0x6a: {  	[hbm4b:s4+s2] =	stream.indirect_vreg.scatter [tilespmem:s30], [sflag:$0x1], $0x80, v3, vm0, $0xb8;
	[tilespmem:$0xC100] =	vst v63  }
0x6b: {  	_ = 	snop  }
0x6c: {  	[hbm4b:s5+s2] =	stream.indirect_vreg.scatter [tilespmem:s31], [sflag:$0x1], $0x80, v3, vm0, $0xb8;
	[tilespmem:$0xC100] =	vst v63  }
0x6d: {  	v3 =	vld [tilespmem:$0xC080];
	_ =	sdelay $0x4  }
0x6e: {  	v60 =	vshrl.u32 v3, $0x3  }
0x6f: {  	v4 =	vmul.u32 $0x30, v60  }
0x70: {  	v3 =	vand.u32 $0x7, v3  }
0x71: {  	v3 =	vor.u32 v3, v4  }
0x72: {  	v4 =	vperm.xlane v3, v0;
	_ =	sdelay $0x1  }
0x73: {  	v4 =	vadd.s32 v1, v4;
	_ =	sdelay $0x3  }
0x74: {  	v3 =	vperm.xlane v3, v2  }
0x75: {  	[hbm4b:s3+s2] =	stream.indirect_vreg.scatter [tilespmem:s2], [sflag:$0x1], $0x80, v4, vm0, $0xb8;
	[tilespmem:$0xC100] =	vst v63  }
0x76: {  	v3 =	vadd.s32 v1, v3  }
0x77: {  	[hbm4b:s4+s2] =	stream.indirect_vreg.scatter [tilespmem:s8], [sflag:$0x1], $0x80, v4, vm0, $0xb8;
	[tilespmem:$0xC100] =	vst v63  }
0x78: {  	_ = 	snop  }
0x79: {  	[hbm4b:s5+s2] =	stream.indirect_vreg.scatter [tilespmem:s9], [sflag:$0x1], $0x80, v4, vm0, $0xb8;
	[tilespmem:$0xC100] =	vst v63  }
0x7a: {  	_ = 	snop  }
0x7b: {  	[hbm4b:s3+s2] =	stream.indirect_vreg.scatter [tilespmem:s10], [sflag:$0x1], $0x80, v3, vm0, $0xb8;
	[tilespmem:$0xC100] =	vst v63  }
0x7c: {  	_ = 	snop  }
0x7d: {  	[hbm4b:s4+s2] =	stream.indirect_vreg.scatter [tilespmem:s11], [sflag:$0x1], $0x80, v3, vm0, $0xb8;
	[tilespmem:$0xC100] =	vst v63  }
0x7e: {  	_ = 	snop  }
0x7f: {  	[hbm4b:s5+s2] =	stream.indirect_vreg.scatter [tilespmem:s12], [sflag:$0x1], $0x80, v3, vm0, $0xb8;
	[tilespmem:$0xC100] =	vst v63  }
0x80: {  	v3 =	vld [tilespmem:$0xC090];
	_ =	sdelay $0x4  }
0x81: {  	v61 =	vshrl.u32 v3, $0x3  }
0x82: {  	v4 =	vmul.u32 $0x30, v61  }
0x83: {  	v3 =	vand.u32 $0x7, v3  }
0x84: {  	v3 =	vor.u32 v3, v4  }
0x85: {  	v4 =	vperm.xlane v3, v0;
	_ =	sdelay $0x1  }
0x86: {  	v4 =	vadd.s32 v1, v4;
	_ =	sdelay $0x3  }
0x87: {  	v3 =	vperm.xlane v3, v2  }
0x88: {  	[hbm4b:s3+s2] =	stream.indirect_vreg.scatter [tilespmem:s13], [sflag:$0x1], $0x80, v4, vm0, $0xb8;
	[tilespmem:$0xC100] =	vst v63  }
0x89: {  	v3 =	vadd.s32 v1, v3  }
0x8a: {  	[hbm4b:s4+s2] =	stream.indirect_vreg.scatter [tilespmem:s14], [sflag:$0x1], $0x80, v4, vm0, $0xb8;
	[tilespmem:$0xC100] =	vst v63  }
0x8b: {  	_ = 	snop  }
0x8c: {  	[hbm4b:s5+s2] =	stream.indirect_vreg.scatter [tilespmem:s15], [sflag:$0x1], $0x80, v4, vm0, $0xb8;
	[tilespmem:$0xC100] =	vst v63  }
0x8d: {  	_ = 	snop  }
0x8e: {  	[hbm4b:s3+s2] =	stream.indirect_vreg.scatter [tilespmem:s16], [sflag:$0x1], $0x80, v3, vm0, $0xb8;
	[tilespmem:$0xC100] =	vst v63  }
0x8f: {  	_ = 	snop  }
0x90: {  	[hbm4b:s4+s2] =	stream.indirect_vreg.scatter [tilespmem:s17], [sflag:$0x1], $0x80, v3, vm0, $0xb8;
	[tilespmem:$0xC100] =	vst v63  }
0x91: {  	_ = 	snop  }
0x92: {  	[hbm4b:s5+s2] =	stream.indirect_vreg.scatter [tilespmem:s18], [sflag:$0x1], $0x80, v3, vm0, $0xb8;
	[tilespmem:$0xC100] =	vst v63  }
0x93: {  	v3 =	vld [tilespmem:$0xC0A0];
	_ =	sdelay $0x4  }
0x94: {  	v62 =	vshrl.u32 v3, $0x3  }
0x95: {  	v4 =	vmul.u32 $0x30, v62  }
0x96: {  	v3 =	vand.u32 $0x7, v3  }
0x97: {  	v3 =	vor.u32 v3, v4  }
0x98: {  	v4 =	vperm.xlane v3, v0;
	_ =	sdelay $0x1  }
0x99: {  	v4 =	vadd.s32 v1, v4;
	_ =	sdelay $0x3  }
0x9a: {  	v3 =	vperm.xlane v3, v2  }
0x9b: {  	[hbm4b:s3+s2] =	stream.indirect_vreg.scatter [tilespmem:s19], [sflag:$0x1], $0x80, v4, vm0, $0xb8;
	[tilespmem:$0xC100] =	vst v63  }
0x9c: {  	v3 =	vadd.s32 v1, v3  }
0x9d: {  	[hbm4b:s4+s2] =	stream.indirect_vreg.scatter [tilespmem:s20], [sflag:$0x1], $0x80, v4, vm0, $0xb8;
	[tilespmem:$0xC100] =	vst v63  }
0x9e: {  	_ = 	snop  }
0x9f: {  	[hbm4b:s5+s2] =	stream.indirect_vreg.scatter [tilespmem:s21], [sflag:$0x1], $0x80, v4, vm0, $0xb8;
	[tilespmem:$0xC100] =	vst v63  }
0xa0: {  	_ = 	snop  }
0xa1: {  	[hbm4b:s3+s2] =	stream.indirect_vreg.scatter [tilespmem:s22], [sflag:$0x1], $0x80, v3, vm0, $0xb8;
	[tilespmem:$0xC100] =	vst v63  }
0xa2: {  	_ = 	snop  }
0xa3: {  	[hbm4b:s4+s2] =	stream.indirect_vreg.scatter [tilespmem:s23], [sflag:$0x1], $0x80, v3, vm0, $0xb8;
	[tilespmem:$0xC100] =	vst v63  }
0xa4: {  	_ = 	snop  }
0xa5: {  	[hbm4b:s5+s2] =	stream.indirect_vreg.scatter [tilespmem:s24], [sflag:$0x1], $0x80, v3, vm0, $0xb8;
	[tilespmem:$0xC100] =	vst v63  }
0xa6: {  	v3 =	vld [tilespmem:$0xC0B0];
	_ =	sdelay $0x4  }
0xa7: {  	v63 =	vshrl.u32 v3, $0x3  }
0xa8: {  	v4 =	vmul.u32 $0x30, v63  }
0xa9: {  	v3 =	vand.u32 $0x7, v3  }
0xaa: {  	v3 =	vor.u32 v3, v4  }
0xab: {  	v4 =	vperm.xlane v3, v0;
	_ =	sdelay $0x1  }
0xac: {  	v4 =	vadd.s32 v1, v4;
	_ =	sdelay $0x3  }
0xad: {  	v3 =	vperm.xlane v3, v2  }
0xae: {  	[hbm4b:s3+s2] =	stream.indirect_vreg.scatter [tilespmem:s25], [sflag:$0x1], $0x80, v4, vm0, $0xb8;
	[tilespmem:$0xC100] =	vst v63  }
0xaf: {  	v3 =	vadd.s32 v1, v3  }
0xb0: {  	[hbm4b:s4+s2] =	stream.indirect_vreg.scatter [tilespmem:s26], [sflag:$0x1], $0x80, v4, vm0, $0xb8;
	[tilespmem:$0xC100] =	vst v63  }
0xb1: {  	_ = 	snop  }
0xb2: {  	[hbm4b:s5+s2] =	stream.indirect_vreg.scatter [tilespmem:s28], [sflag:$0x1], $0x80, v4, vm0, $0xb8;
	[tilespmem:$0xC100] =	vst v63  }
0xb3: {  	_ = 	snop  }
0xb4: {  	[hbm4b:s3+s2] =	stream.indirect_vreg.scatter [tilespmem:s29], [sflag:$0x1], $0x80, v3, vm0, $0xb8;
	[tilespmem:$0xC100] =	vst v63  }
0xb5: {  	_ = 	snop  }
0xb6: {  	[hbm4b:s4+s2] =	stream.indirect_vreg.scatter [tilespmem:s30], [sflag:$0x1], $0x80, v3, vm0, $0xb8;
	[tilespmem:$0xC100] =	vst v63  }
0xb7: {  	_ = 	snop  }
0xb8: {  	[hbm4b:s5+s2] =	stream.indirect_vreg.scatter [tilespmem:s31], [sflag:$0x1], $0x80, v3, vm0, $0xb8;
	[tilespmem:$0xC100] =	vst v63  }
0xb9: {  	p0 =	sne.s32 s6, $0x1;
	_ =	swait.ge [sflag:s1], $0xC000  }
.Ltmp0:
0xba: {  	[sflag:s1] =	ssyncset.done $0x0;
	(pc) =	sbr.rel @p0 .LBB2_1-.Ltmp0, $4  }
0xbb: {  	[sflag:s1] =	ssyncadd.s32 $0xFFFF4000  }
0xbc: {  	_ =	swait.ge [sflag:s1], $0xC000  }
0xbd: {  	[sflag:s1] =	ssyncset.done $0x0  }
0xbe: {  	s6 =	sadd.s32 $0xFFFFFFFF, s6;
	[sflag:s1] =	ssyncadd.s32 $0xFFFF4000  }
0xbf: {  	_ =	sfence.sel $0x180000  }
0xc0: {  	[bflag:$0x0] =	sbarrier.arrive $0xFFFF  }
0xc1: {  	_ =	strace $0x90000047  }
0xc2: {  	s0 =	stileid.u32;
	[bflag:$0x2] =	sbarrier.arrive $0xFFFF  }
0xc3: {  	p0 =	sne.s32 s0, $0x0;
	s0 =	rddreg [dreg:$0x3]  }
0xc4: {  	s0 =	sadd.s32 @!p0 $0x100000, s0  }
0xc5: {  	[sflag:s0] =	ssyncadd.tile.s32 @!p0 $0x1;
	_ =	shalt  }
.Lfunc_end2:
_tile_overlayer_lowered:
.L_overlay_start_2:
0xc6: {  	(tag) =	ssettag $0x2  }
0xc7: {  	s0 =	rddreg [dreg:$0x0];
	s2 =	stileid.u32  }
0xc8: {  	s1 =	rddreg [dreg:$0x1];
	p0 =	sne.s32 s2, $0x0  }
0xc9: {  	s3 =	rddreg [dreg:$0x2];
	[bflag:$0x3] =	sbarrier.arrive $0xFFFF;
	s2 =	simm.s32 @!p0 $0x1C02  }
0xca: {  	[timem:s3], [sflag:s2] =	dma.local @!p0 [hbm:s0], s1  }
0xcb: {  	s0 =	simm.s32 @!p0 $0x2  }
0xcc: {  	_ =	swait.ge @!p0 [sflag:s0], s1  }
0xcd: {  	s1 =	ssub.s32 @!p0 $0x0, s1;
	[sflag:s0] =	ssyncset.done @!p0 $0x0  }
0xce: {  	[sflag:s0] =	ssyncadd.s32 @!p0 s1  }
0xcf: {  	[bflag:$0x3] =	sbarrier.arrive $0xFFFF  }
0xd0: {  	_ =	shalt  }

</sc_bundles>
